<compile_context>
chip_gen: v7x
topology: tpu7x:2x2x1
jax: 0.10.2.dev20260603
libtpu: 0.0.44.dev20260713+nightly
codegen_flags: <defaults>
</compile_context>

<pallas_src>
import functools

import jax
import jax.numpy as jnp
from jax import lax
from jax.experimental import pallas as pl
from jax.experimental.pallas import tpu as pltpu
from jax.experimental.pallas import tpu_sc as plsc

EPS = 1e-12

_NC = 2
_NS = 16
_NW = _NC * _NS

_CHUNK = 32
_NBUF = 4
_NSPLIT = 2


def _sc_gather_body(n_tokens, hidden, nbuf, ids_hbm, table_hbm, out_hbm, idx_v,
                    *bufs_and_sems):
    rows = bufs_and_sems[:nbuf]
    gsem = bufs_and_sems[nbuf:2 * nbuf]
    wsem = bufs_and_sems[2 * nbuf:]
    tok_per_w = n_tokens // _NW
    n_chunks = tok_per_w // _CHUNK
    wid = lax.axis_index("s") * _NC + lax.axis_index("c")
    base = wid * tok_per_w
    pltpu.sync_copy(ids_hbm.at[pl.ds(base, tok_per_w)], idx_v)

    def gather(c, b):
        return pltpu.async_copy(
            table_hbm.at[idx_v.at[pl.ds(c * _CHUNK, _CHUNK)]], rows[b], gsem[b])

    def writeback(c, b):
        return pltpu.async_copy(
            rows[b], out_hbm.at[pl.ds(base + c * _CHUNK, _CHUNK)], wsem[b])

    copies = [None] * nbuf
    wbs = [None] * nbuf
    for c in range(min(nbuf, n_chunks)):
        copies[c] = gather(c, c)
    for c in range(n_chunks):
        b = c % nbuf
        copies[b].wait()
        wbs[b] = writeback(c, b)
        nxt = c + nbuf
        if nxt < n_chunks:
            wbs[b].wait()
            copies[b] = gather(nxt, b)
    for c in range(max(0, n_chunks - nbuf), n_chunks):
        wbs[c % nbuf].wait()


def _sc_gather(ids_flat, table):
    n_tokens = ids_flat.shape[0]
    hidden = table.shape[1]
    tok_per_w = n_tokens // _NW
    nbuf = min(_NBUF, tok_per_w // _CHUNK)
    mesh = plsc.VectorSubcoreMesh(core_axis_name="c", subcore_axis_name="s")
    call = pl.kernel(
        functools.partial(_sc_gather_body, n_tokens, hidden, nbuf),
        mesh=mesh,
        out_type=jax.ShapeDtypeStruct((n_tokens, hidden), jnp.float32),
        scratch_types=[
            pltpu.VMEM((tok_per_w,), jnp.int32),
        ] + [pltpu.VMEM((_CHUNK, hidden), jnp.float32) for _ in range(nbuf)]
          + [pltpu.SemaphoreType.DMA for _ in range(2 * nbuf)],
    )
    return call(ids_flat, table)


def _tc_ln_body(x_ref, pos_ref, tt_ref, t_ref, w_ref, b_ref, o_ref):
    x = x_ref[...]
    tt0 = tt_ref[0:1, :]
    dtt = tt_ref[1:2, :] - tt0
    x = x + pos_ref[...] + tt0 + t_ref[...] * dtt
    u = jnp.mean(x, axis=-1, keepdims=True)
    v = jnp.mean((x - u) ** 2, axis=-1, keepdims=True)
    y = (x - u) * lax.rsqrt(v + EPS)
    o_ref[...] = y * w_ref[...] + b_ref[...]


def _tc_ln_body_prev(prev_ref, x_ref, pos_ref, tt_ref, t_ref, w_ref, b_ref, o_ref):
    del prev_ref
    _tc_ln_body(x_ref, pos_ref, tt_ref, t_ref, w_ref, b_ref, o_ref)


def _tc_ln_slice(prev, g_s, pos_emb, tt_emb, t_f32, lnw, lnb, s_idx, blk,
                 n_tokens, seq):
    hidden = g_s.shape[1]
    batch = n_tokens // seq
    n_sb = seq // blk
    grid = (batch,)
    specs = [
        pl.BlockSpec((blk, hidden), lambda b: (b, 0)),
        pl.BlockSpec((blk, hidden), lambda b: (s_idx, 0)),
        pl.BlockSpec((2, hidden), lambda b: (0, 0)),
        pl.BlockSpec((blk, 1), lambda b: (b * n_sb + s_idx, 0)),
        pl.BlockSpec((1, hidden), lambda b: (0, 0)),
        pl.BlockSpec((1, hidden), lambda b: (0, 0)),
    ]
    out_spec = pl.BlockSpec((blk, hidden), lambda b: (b * n_sb + s_idx, 0))
    out_shape = jax.ShapeDtypeStruct((n_tokens, hidden), jnp.float32)
    if prev is None:
        return pl.pallas_call(
            _tc_ln_body, grid=grid, in_specs=specs, out_specs=out_spec,
            out_shape=out_shape,
        )(g_s, pos_emb, tt_emb, t_f32, lnw, lnb)
    specs = [pl.BlockSpec(memory_space=pl.ANY)] + specs
    return pl.pallas_call(
        _tc_ln_body_prev, grid=grid, in_specs=specs, out_specs=out_spec,
        out_shape=out_shape, input_output_aliases={0: 0},
    )(prev, g_s, pos_emb, tt_emb, t_f32, lnw, lnb)


def kernel(input_ids, token_type_ids, word_embeddings, position_embeddings,
           token_type_embeddings, ln_weight, ln_bias):
    batch, seq = input_ids.shape
    hidden = word_embeddings.shape[1]
    n_tokens = batch * seq
    blk = seq // _NSPLIT
    ids = input_ids.astype(jnp.int32)
    t_f32 = token_type_ids.reshape(-1, 1).astype(jnp.float32)
    lnw = ln_weight.reshape(1, -1)
    lnb = ln_bias.reshape(1, -1)

    gathered = [
        _sc_gather(lax.slice(ids, (0, s * blk), (batch, (s + 1) * blk)).reshape(-1),
                   word_embeddings)
        for s in range(_NSPLIT)
    ]
    out = None
    for s in range(_NSPLIT):
        out = _tc_ln_slice(out, gathered[s], position_embeddings,
                           token_type_embeddings, t_f32, lnw, lnb, s, blk,
                           n_tokens, seq)
    return out.reshape(batch, seq, hidden)

# --- scband reference (transcript-rebuilt; emitter-appended) ---
"""Pipeline reference for scband-volta-embeddings-25718264168942 (READ-ONLY COPY).

The authoritative reference and input builder live on the scoring server;
editing this copy changes nothing except your own understanding.
"""

import jax, jax.numpy as jnp
import numpy as np

VOCAB = 100000
HIDDEN = 768
MAX_POS = 2048
TYPE_VOCAB = 2
BATCH = 4
SEQ = 2048
EPS = 1e-12


def setup_inputs(seed: int = 0) -> dict:
    key = jax.random.key(seed)
    k1, k2, k3, k4, k5 = jax.random.split(key, 5)
    input_ids = jax.random.randint(k1, (BATCH, SEQ), 0, VOCAB, dtype=jnp.int64 if jax.config.jax_enable_x64 else jnp.int32)
    token_type_ids = jax.random.randint(k2, (BATCH, SEQ), 0, TYPE_VOCAB, dtype=input_ids.dtype)
    word_embeddings = jax.random.normal(k3, (VOCAB, HIDDEN), dtype=jnp.float32) * 0.02
    position_embeddings = jax.random.normal(k4, (MAX_POS, HIDDEN), dtype=jnp.float32) * 0.02
    token_type_embeddings = jax.random.normal(k5, (TYPE_VOCAB, HIDDEN), dtype=jnp.float32) * 0.02
    ln_weight = jnp.ones((HIDDEN,), dtype=jnp.float32)
    ln_bias = jnp.zeros((HIDDEN,), dtype=jnp.float32)
    return {
        "input_ids": input_ids,
        "token_type_ids": token_type_ids,
        "word_embeddings": word_embeddings,
        "position_embeddings": position_embeddings,
        "token_type_embeddings": token_type_embeddings,
        "ln_weight": ln_weight,
        "ln_bias": ln_bias,
    }


def _layer_norm(x, weight, bias, eps):
    u = jnp.mean(x, axis=-1, keepdims=True)
    s = jnp.mean((x - u) ** 2, axis=-1, keepdims=True)
    x = (x - u) / jnp.sqrt(s + eps)
    return weight * x + bias


def reference(input_ids, token_type_ids, word_embeddings, position_embeddings, token_type_embeddings, ln_weight, ln_bias):
    seq_length = input_ids.shape[1]
    position_ids = jnp.arange(seq_length, dtype=input_ids.dtype)
    position_ids = jnp.broadcast_to(position_ids[None, :], input_ids.shape)
    words = jnp.take(word_embeddings, input_ids, axis=0)
    pos = jnp.take(position_embeddings, position_ids, axis=0)
    types = jnp.take(token_type_embeddings, token_type_ids, axis=0)
    embeddings = words + pos + types
    embeddings = _layer_norm(embeddings, ln_weight, ln_bias, EPS)
    # dropout prob = 0.0 -> identity
    return embeddings

if __name__ == "__main__":
    import jax
    _d = setup_inputs()
    print(jax.jit(kernel)(*tuple(_d.values())))

</pallas_src>

<mosaic_0001>
#map = affine_map<(d0, d1) -> (0)>
#map1 = affine_map<(d0, d1) -> (0, 0)>
module attributes {stable_mosaic.version = 14 : i64} {
  func.func @_sc_gather_body(%arg0: i32, %arg1: i32, %arg2: memref<4096xi32, #tpu.memory_space<hbm>>, %arg3: memref<100000x768xf32, #tpu.memory_space<hbm>>, %arg4: memref<4096x768xf32, #tpu.memory_space<hbm>>, %arg5: memref<128xi32, #tpu.memory_space<vmem>>, %arg6: memref<32x768xf32, #tpu.memory_space<vmem>>, %arg7: memref<32x768xf32, #tpu.memory_space<vmem>>, %arg8: memref<32x768xf32, #tpu.memory_space<vmem>>, %arg9: memref<32x768xf32, #tpu.memory_space<vmem>>, %arg10: memref<!tpu.dma_semaphore, #tpu.memory_space<semaphore_mem>>, %arg11: memref<!tpu.dma_semaphore, #tpu.memory_space<semaphore_mem>>, %arg12: memref<!tpu.dma_semaphore, #tpu.memory_space<semaphore_mem>>, %arg13: memref<!tpu.dma_semaphore, #tpu.memory_space<semaphore_mem>>, %arg14: memref<!tpu.dma_semaphore, #tpu.memory_space<semaphore_mem>>, %arg15: memref<!tpu.dma_semaphore, #tpu.memory_space<semaphore_mem>>, %arg16: memref<!tpu.dma_semaphore, #tpu.memory_space<semaphore_mem>>, %arg17: memref<!tpu.dma_semaphore, #tpu.memory_space<semaphore_mem>>) attributes {dimension_semantics = [#tpu.dimension_semantics<core_parallel>, #tpu.dimension_semantics<subcore_parallel>], iteration_bounds = array<i64: 2, 16>, scalar_prefetch = 0 : i64, scratch_operands = 13 : i64, tpu.core_type = #tpu.core_type<sc_vector_subcore>, window_params = [{transform_indices = #map}, {transform_indices = #map1}, {transform_indices = #map1}]} {
    %mul3A = arith.constant 2 : i32
    %mul3A_0 = arith.muli %arg1, %mul3A : i32
    %add3A = arith.addi %mul3A_0, %arg0 : i32
    %mul3A_1 = arith.constant 128 : i32
    %mul3A_2 = arith.muli %add3A, %mul3A_1 : i32
    "tpu.region"() ({
      %run_scoped3A = tpu.sem_alloc : memref<!tpu.dma_semaphore, #tpu.memory_space<semaphore_mem>>
      %dma_start3A_81 = tpu.memref_slice %arg2[%mul3A_2] : memref<4096xi32, #tpu.memory_space<hbm>> -> memref<128xi32, #tpu.memory_space<hbm>>
      %dma_start3A_82 = tpu.memref_slice %arg2[%mul3A_2] : memref<4096xi32, #tpu.memory_space<hbm>> -> memref<128xi32, #tpu.memory_space<hbm>>
      tpu.enqueue_dma source(%dma_start3A_82 : memref<128xi32, #tpu.memory_space<hbm>>) target(%arg5 : memref<128xi32, #tpu.memory_space<vmem>>) target_semaphore(%run_scoped3A : memref<!tpu.dma_semaphore, #tpu.memory_space<semaphore_mem>>)
      %dma_wait3A_83 = tpu.memref_slice %arg2[%mul3A_2] : memref<4096xi32, #tpu.memory_space<hbm>> -> memref<128xi32, #tpu.memory_space<hbm>>
      %dma_wait3A_84 = tpu.memref_slice %arg2[%mul3A_2] : memref<4096xi32, #tpu.memory_space<hbm>> -> memref<128xi32, #tpu.memory_space<hbm>>
      tpu.wait_dma2 semaphore(%run_scoped3A : memref<!tpu.dma_semaphore, #tpu.memory_space<semaphore_mem>>) src(%dma_wait3A_84 : memref<128xi32, #tpu.memory_space<hbm>>) dst(%arg5 : memref<128xi32, #tpu.memory_space<vmem>>)
      tpu.yield
    }) : () -> ()
    %dma_start3A = arith.constant 0 : i32
    %dma_start3A_3 = tpu.memref_slice %arg5[%dma_start3A] : memref<128xi32, #tpu.memory_space<vmem>> -> memref<32xi32, #tpu.memory_space<vmem>>
    %dma_start3A_4 = arith.constant 0 : i32
    %dma_start3A_5 = arith.constant 0 : i32
    %dma_start3A_6 = tpu.memref_slice %arg3[%dma_start3A_4, %dma_start3A_5] : memref<100000x768xf32, #tpu.memory_space<hbm>> -> memref<100000x768xf32, #tpu.memory_space<hbm>>
    tpu.enqueue_indirect_dma source(%dma_start3A_6 : memref<100000x768xf32, #tpu.memory_space<hbm>>) target(%arg6 : memref<32x768xf32, #tpu.memory_space<vmem>>) offsets(%dma_start3A_3 : memref<32xi32, #tpu.memory_space<vmem>>) semaphore(%arg10 : memref<!tpu.dma_semaphore, #tpu.memory_space<semaphore_mem>>)
    %dma_start3A_7 = arith.constant 32 : i32
    %dma_start3A_8 = tpu.memref_slice %arg5[%dma_start3A_7] : memref<128xi32, #tpu.memory_space<vmem>> -> memref<32xi32, #tpu.memory_space<vmem>>
    %dma_start3A_9 = arith.constant 0 : i32
    %dma_start3A_10 = arith.constant 0 : i32
    %dma_start3A_11 = tpu.memref_slice %arg3[%dma_start3A_9, %dma_start3A_10] : memref<100000x768xf32, #tpu.memory_space<hbm>> -> memref<100000x768xf32, #tpu.memory_space<hbm>>
    tpu.enqueue_indirect_dma source(%dma_start3A_11 : memref<100000x768xf32, #tpu.memory_space<hbm>>) target(%arg7 : memref<32x768xf32, #tpu.memory_space<vmem>>) offsets(%dma_start3A_8 : memref<32xi32, #tpu.memory_space<vmem>>) semaphore(%arg11 : memref<!tpu.dma_semaphore, #tpu.memory_space<semaphore_mem>>)
    %dma_start3A_12 = arith.constant 64 : i32
    %dma_start3A_13 = tpu.memref_slice %arg5[%dma_start3A_12] : memref<128xi32, #tpu.memory_space<vmem>> -> memref<32xi32, #tpu.memory_space<vmem>>
    %dma_start3A_14 = arith.constant 0 : i32
    %dma_start3A_15 = arith.constant 0 : i32
    %dma_start3A_16 = tpu.memref_slice %arg3[%dma_start3A_14, %dma_start3A_15] : memref<100000x768xf32, #tpu.memory_space<hbm>> -> memref<100000x768xf32, #tpu.memory_space<hbm>>
    tpu.enqueue_indirect_dma source(%dma_start3A_16 : memref<100000x768xf32, #tpu.memory_space<hbm>>) target(%arg8 : memref<32x768xf32, #tpu.memory_space<vmem>>) offsets(%dma_start3A_13 : memref<32xi32, #tpu.memory_space<vmem>>) semaphore(%arg12 : memref<!tpu.dma_semaphore, #tpu.memory_space<semaphore_mem>>)
    %dma_start3A_17 = arith.constant 96 : i32
    %dma_start3A_18 = tpu.memref_slice %arg5[%dma_start3A_17] : memref<128xi32, #tpu.memory_space<vmem>> -> memref<32xi32, #tpu.memory_space<vmem>>
    %dma_start3A_19 = arith.constant 0 : i32
    %dma_start3A_20 = arith.constant 0 : i32
    %dma_start3A_21 = tpu.memref_slice %arg3[%dma_start3A_19, %dma_start3A_20] : memref<100000x768xf32, #tpu.memory_space<hbm>> -> memref<100000x768xf32, #tpu.memory_space<hbm>>
    tpu.enqueue_indirect_dma source(%dma_start3A_21 : memref<100000x768xf32, #tpu.memory_space<hbm>>) target(%arg9 : memref<32x768xf32, #tpu.memory_space<vmem>>) offsets(%dma_start3A_18 : memref<32xi32, #tpu.memory_space<vmem>>) semaphore(%arg13 : memref<!tpu.dma_semaphore, #tpu.memory_space<semaphore_mem>>)
    %dma_wait3A = arith.constant 0 : i32
    %dma_wait3A_22 = tpu.memref_slice %arg5[%dma_wait3A] : memref<128xi32, #tpu.memory_space<vmem>> -> memref<32xi32, #tpu.memory_space<vmem>>
    %dma_wait3A_23 = arith.constant 0 : i32
    %dma_wait3A_24 = arith.constant 0 : i32
    %dma_wait3A_25 = tpu.memref_slice %arg3[%dma_wait3A_23, %dma_wait3A_24] : memref<100000x768xf32, #tpu.memory_space<hbm>> -> memref<100000x768xf32, #tpu.memory_space<hbm>>
    tpu.wait_indirect_dma semaphore(%arg10 : memref<!tpu.dma_semaphore, #tpu.memory_space<semaphore_mem>>) src(%dma_wait3A_25 : memref<100000x768xf32, #tpu.memory_space<hbm>>) dst(%arg6 : memref<32x768xf32, #tpu.memory_space<vmem>>)
    %add3A_26 = arith.constant 0 : i32
    %add3A_27 = arith.addi %mul3A_2, %add3A_26 : i32
    %dma_start3A_28 = arith.constant 0 : i32
    %dma_start3A_29 = tpu.memref_slice %arg4[%add3A_27, %dma_start3A_28] : memref<4096x768xf32, #tpu.memory_space<hbm>> -> memref<32x768xf32, #tpu.memory_space<hbm>>
    %dma_start3A_30 = arith.constant 0 : i32
    %dma_start3A_31 = tpu.memref_slice %arg4[%add3A_27, %dma_start3A_30] : memref<4096x768xf32, #tpu.memory_space<hbm>> -> memref<32x768xf32, #tpu.memory_space<hbm>>
    tpu.enqueue_dma source(%arg6 : memref<32x768xf32, #tpu.memory_space<vmem>>) target(%dma_start3A_31 : memref<32x768xf32, #tpu.memory_space<hbm>>) target_semaphore(%arg14 : memref<!tpu.dma_semaphore, #tpu.memory_space<semaphore_mem>>)
    %dma_wait3A_32 = arith.constant 32 : i32
    %dma_wait3A_33 = tpu.memref_slice %arg5[%dma_wait3A_32] : memref<128xi32, #tpu.memory_space<vmem>> -> memref<32xi32, #tpu.memory_space<vmem>>
    %dma_wait3A_34 = arith.constant 0 : i32
    %dma_wait3A_35 = arith.constant 0 : i32
    %dma_wait3A_36 = tpu.memref_slice %arg3[%dma_wait3A_34, %dma_wait3A_35] : memref<100000x768xf32, #tpu.memory_space<hbm>> -> memref<100000x768xf32, #tpu.memory_space<hbm>>
    tpu.wait_indirect_dma semaphore(%arg11 : memref<!tpu.dma_semaphore, #tpu.memory_space<semaphore_mem>>) src(%dma_wait3A_36 : memref<100000x768xf32, #tpu.memory_space<hbm>>) dst(%arg7 : memref<32x768xf32, #tpu.memory_space<vmem>>)
    %add3A_37 = arith.constant 32 : i32
    %add3A_38 = arith.addi %mul3A_2, %add3A_37 : i32
    %dma_start3A_39 = arith.constant 0 : i32
    %dma_start3A_40 = tpu.memref_slice %arg4[%add3A_38, %dma_start3A_39] : memref<4096x768xf32, #tpu.memory_space<hbm>> -> memref<32x768xf32, #tpu.memory_space<hbm>>
    %dma_start3A_41 = arith.constant 0 : i32
    %dma_start3A_42 = tpu.memref_slice %arg4[%add3A_38, %dma_start3A_41] : memref<4096x768xf32, #tpu.memory_space<hbm>> -> memref<32x768xf32, #tpu.memory_space<hbm>>
    tpu.enqueue_dma source(%arg7 : memref<32x768xf32, #tpu.memory_space<vmem>>) target(%dma_start3A_42 : memref<32x768xf32, #tpu.memory_space<hbm>>) target_semaphore(%arg15 : memref<!tpu.dma_semaphore, #tpu.memory_space<semaphore_mem>>)
    %dma_wait3A_43 = arith.constant 64 : i32
    %dma_wait3A_44 = tpu.memref_slice %arg5[%dma_wait3A_43] : memref<128xi32, #tpu.memory_space<vmem>> -> memref<32xi32, #tpu.memory_space<vmem>>
    %dma_wait3A_45 = arith.constant 0 : i32
    %dma_wait3A_46 = arith.constant 0 : i32
    %dma_wait3A_47 = tpu.memref_slice %arg3[%dma_wait3A_45, %dma_wait3A_46] : memref<100000x768xf32, #tpu.memory_space<hbm>> -> memref<100000x768xf32, #tpu.memory_space<hbm>>
    tpu.wait_indirect_dma semaphore(%arg12 : memref<!tpu.dma_semaphore, #tpu.memory_space<semaphore_mem>>) src(%dma_wait3A_47 : memref<100000x768xf32, #tpu.memory_space<hbm>>) dst(%arg8 : memref<32x768xf32, #tpu.memory_space<vmem>>)
    %add3A_48 = arith.constant 64 : i32
    %add3A_49 = arith.addi %mul3A_2, %add3A_48 : i32
    %dma_start3A_50 = arith.constant 0 : i32
    %dma_start3A_51 = tpu.memref_slice %arg4[%add3A_49, %dma_start3A_50] : memref<4096x768xf32, #tpu.memory_space<hbm>> -> memref<32x768xf32, #tpu.memory_space<hbm>>
    %dma_start3A_52 = arith.constant 0 : i32
    %dma_start3A_53 = tpu.memref_slice %arg4[%add3A_49, %dma_start3A_52] : memref<4096x768xf32, #tpu.memory_space<hbm>> -> memref<32x768xf32, #tpu.memory_space<hbm>>
    tpu.enqueue_dma source(%arg8 : memref<32x768xf32, #tpu.memory_space<vmem>>) target(%dma_start3A_53 : memref<32x768xf32, #tpu.memory_space<hbm>>) target_semaphore(%arg16 : memref<!tpu.dma_semaphore, #tpu.memory_space<semaphore_mem>>)
    %dma_wait3A_54 = arith.constant 96 : i32
    %dma_wait3A_55 = tpu.memref_slice %arg5[%dma_wait3A_54] : memref<128xi32, #tpu.memory_space<vmem>> -> memref<32xi32, #tpu.memory_space<vmem>>
    %dma_wait3A_56 = arith.constant 0 : i32
    %dma_wait3A_57 = arith.constant 0 : i32
    %dma_wait3A_58 = tpu.memref_slice %arg3[%dma_wait3A_56, %dma_wait3A_57] : memref<100000x768xf32, #tpu.memory_space<hbm>> -> memref<100000x768xf32, #tpu.memory_space<hbm>>
    tpu.wait_indirect_dma semaphore(%arg13 : memref<!tpu.dma_semaphore, #tpu.memory_space<semaphore_mem>>) src(%dma_wait3A_58 : memref<100000x768xf32, #tpu.memory_space<hbm>>) dst(%arg9 : memref<32x768xf32, #tpu.memory_space<vmem>>)
    %add3A_59 = arith.constant 96 : i32
    %add3A_60 = arith.addi %mul3A_2, %add3A_59 : i32
    %dma_start3A_61 = arith.constant 0 : i32
    %dma_start3A_62 = tpu.memref_slice %arg4[%add3A_60, %dma_start3A_61] : memref<4096x768xf32, #tpu.memory_space<hbm>> -> memref<32x768xf32, #tpu.memory_space<hbm>>
    %dma_start3A_63 = arith.constant 0 : i32
    %dma_start3A_64 = tpu.memref_slice %arg4[%add3A_60, %dma_start3A_63] : memref<4096x768xf32, #tpu.memory_space<hbm>> -> memref<32x768xf32, #tpu.memory_space<hbm>>
    tpu.enqueue_dma source(%arg9 : memref<32x768xf32, #tpu.memory_space<vmem>>) target(%dma_start3A_64 : memref<32x768xf32, #tpu.memory_space<hbm>>) target_semaphore(%arg17 : memref<!tpu.dma_semaphore, #tpu.memory_space<semaphore_mem>>)
    %dma_wait3A_65 = arith.constant 0 : i32
    %dma_wait3A_66 = tpu.memref_slice %arg4[%add3A_27, %dma_wait3A_65] : memref<4096x768xf32, #tpu.memory_space<hbm>> -> memref<32x768xf32, #tpu.memory_space<hbm>>
    %dma_wait3A_67 = arith.constant 0 : i32
    %dma_wait3A_68 = tpu.memref_slice %arg4[%add3A_27, %dma_wait3A_67] : memref<4096x768xf32, #tpu.memory_space<hbm>> -> memref<32x768xf32, #tpu.memory_space<hbm>>
    tpu.wait_dma2 semaphore(%arg14 : memref<!tpu.dma_semaphore, #tpu.memory_space<semaphore_mem>>) src(%arg6 : memref<32x768xf32, #tpu.memory_space<vmem>>) dst(%dma_wait3A_68 : memref<32x768xf32, #tpu.memory_space<hbm>>)
    %dma_wait3A_69 = arith.constant 0 : i32
    %dma_wait3A_70 = tpu.memref_slice %arg4[%add3A_38, %dma_wait3A_69] : memref<4096x768xf32, #tpu.memory_space<hbm>> -> memref<32x768xf32, #tpu.memory_space<hbm>>
    %dma_wait3A_71 = arith.constant 0 : i32
    %dma_wait3A_72 = tpu.memref_slice %arg4[%add3A_38, %dma_wait3A_71] : memref<4096x768xf32, #tpu.memory_space<hbm>> -> memref<32x768xf32, #tpu.memory_space<hbm>>
    tpu.wait_dma2 semaphore(%arg15 : memref<!tpu.dma_semaphore, #tpu.memory_space<semaphore_mem>>) src(%arg7 : memref<32x768xf32, #tpu.memory_space<vmem>>) dst(%dma_wait3A_72 : memref<32x768xf32, #tpu.memory_space<hbm>>)
    %dma_wait3A_73 = arith.constant 0 : i32
    %dma_wait3A_74 = tpu.memref_slice %arg4[%add3A_49, %dma_wait3A_73] : memref<4096x768xf32, #tpu.memory_space<hbm>> -> memref<32x768xf32, #tpu.memory_space<hbm>>
    %dma_wait3A_75 = arith.constant 0 : i32
    %dma_wait3A_76 = tpu.memref_slice %arg4[%add3A_49, %dma_wait3A_75] : memref<4096x768xf32, #tpu.memory_space<hbm>> -> memref<32x768xf32, #tpu.memory_space<hbm>>
    tpu.wait_dma2 semaphore(%arg16 : memref<!tpu.dma_semaphore, #tpu.memory_space<semaphore_mem>>) src(%arg8 : memref<32x768xf32, #tpu.memory_space<vmem>>) dst(%dma_wait3A_76 : memref<32x768xf32, #tpu.memory_space<hbm>>)
    %dma_wait3A_77 = arith.constant 0 : i32
    %dma_wait3A_78 = tpu.memref_slice %arg4[%add3A_60, %dma_wait3A_77] : memref<4096x768xf32, #tpu.memory_space<hbm>> -> memref<32x768xf32, #tpu.memory_space<hbm>>
    %dma_wait3A_79 = arith.constant 0 : i32
    %dma_wait3A_80 = tpu.memref_slice %arg4[%add3A_60, %dma_wait3A_79] : memref<4096x768xf32, #tpu.memory_space<hbm>> -> memref<32x768xf32, #tpu.memory_space<hbm>>
    tpu.wait_dma2 semaphore(%arg17 : memref<!tpu.dma_semaphore, #tpu.memory_space<semaphore_mem>>) src(%arg9 : memref<32x768xf32, #tpu.memory_space<vmem>>) dst(%dma_wait3A_80 : memref<32x768xf32, #tpu.memory_space<hbm>>)
    return
  }
}

#map = affine_map<(d0, d1) -> (0)>
#map1 = affine_map<(d0, d1) -> (0, 0)>
module attributes {stable_mosaic.version = 14 : i64} {
  func.func @_sc_gather_body(%arg0: i32, %arg1: i32, %arg2: memref<4096xi32, #tpu.memory_space<hbm>>, %arg3: memref<100000x768xf32, #tpu.memory_space<hbm>>, %arg4: memref<4096x768xf32, #tpu.memory_space<hbm>>, %arg5: memref<128xi32, #tpu.memory_space<vmem>>, %arg6: memref<32x768xf32, #tpu.memory_space<vmem>>, %arg7: memref<32x768xf32, #tpu.memory_space<vmem>>, %arg8: memref<32x768xf32, #tpu.memory_space<vmem>>, %arg9: memref<32x768xf32, #tpu.memory_space<vmem>>, %arg10: memref<!tpu.dma_semaphore, #tpu.memory_space<semaphore_mem>>, %arg11: memref<!tpu.dma_semaphore, #tpu.memory_space<semaphore_mem>>, %arg12: memref<!tpu.dma_semaphore, #tpu.memory_space<semaphore_mem>>, %arg13: memref<!tpu.dma_semaphore, #tpu.memory_space<semaphore_mem>>, %arg14: memref<!tpu.dma_semaphore, #tpu.memory_space<semaphore_mem>>, %arg15: memref<!tpu.dma_semaphore, #tpu.memory_space<semaphore_mem>>, %arg16: memref<!tpu.dma_semaphore, #tpu.memory_space<semaphore_mem>>, %arg17: memref<!tpu.dma_semaphore, #tpu.memory_space<semaphore_mem>>) attributes {dimension_semantics = [#tpu.dimension_semantics<core_parallel>, #tpu.dimension_semantics<subcore_parallel>], iteration_bounds = array<i64: 2, 16>, scalar_prefetch = 0 : i64, scratch_operands = 13 : i64, tpu.core_type = #tpu.core_type<sc_vector_subcore>, window_params = [{transform_indices = #map}, {transform_indices = #map1}, {transform_indices = #map1}]} {
    %mul3A = arith.constant 2 : i32
    %mul3A_0 = arith.muli %arg1, %mul3A : i32
    %add3A = arith.addi %mul3A_0, %arg0 : i32
    %mul3A_1 = arith.constant 128 : i32
    %mul3A_2 = arith.muli %add3A, %mul3A_1 : i32
    "tpu.region"() ({
      %run_scoped3A = tpu.sem_alloc : memref<!tpu.dma_semaphore, #tpu.memory_space<semaphore_mem>>
      %dma_start3A_81 = tpu.memref_slice %arg2[%mul3A_2] : memref<4096xi32, #tpu.memory_space<hbm>> -> memref<128xi32, #tpu.memory_space<hbm>>
      %dma_start3A_82 = tpu.memref_slice %arg2[%mul3A_2] : memref<4096xi32, #tpu.memory_space<hbm>> -> memref<128xi32, #tpu.memory_space<hbm>>
      tpu.enqueue_dma source(%dma_start3A_82 : memref<128xi32, #tpu.memory_space<hbm>>) target(%arg5 : memref<128xi32, #tpu.memory_space<vmem>>) target_semaphore(%run_scoped3A : memref<!tpu.dma_semaphore, #tpu.memory_space<semaphore_mem>>)
      %dma_wait3A_83 = tpu.memref_slice %arg2[%mul3A_2] : memref<4096xi32, #tpu.memory_space<hbm>> -> memref<128xi32, #tpu.memory_space<hbm>>
      %dma_wait3A_84 = tpu.memref_slice %arg2[%mul3A_2] : memref<4096xi32, #tpu.memory_space<hbm>> -> memref<128xi32, #tpu.memory_space<hbm>>
      tpu.wait_dma2 semaphore(%run_scoped3A : memref<!tpu.dma_semaphore, #tpu.memory_space<semaphore_mem>>) src(%dma_wait3A_84 : memref<128xi32, #tpu.memory_space<hbm>>) dst(%arg5 : memref<128xi32, #tpu.memory_space<vmem>>)
      tpu.yield
    }) : () -> ()
    %dma_start3A = arith.constant 0 : i32
    %dma_start3A_3 = tpu.memref_slice %arg5[%dma_start3A] : memref<128xi32, #tpu.memory_space<vmem>> -> memref<32xi32, #tpu.memory_space<vmem>>
    %dma_start3A_4 = arith.constant 0 : i32
    %dma_start3A_5 = arith.constant 0 : i32
    %dma_start3A_6 = tpu.memref_slice %arg3[%dma_start3A_4, %dma_start3A_5] : memref<100000x768xf32, #tpu.memory_space<hbm>> -> memref<100000x768xf32, #tpu.memory_space<hbm>>
    tpu.enqueue_indirect_dma source(%dma_start3A_6 : memref<100000x768xf32, #tpu.memory_space<hbm>>) target(%arg6 : memref<32x768xf32, #tpu.memory_space<vmem>>) offsets(%dma_start3A_3 : memref<32xi32, #tpu.memory_space<vmem>>) semaphore(%arg10 : memref<!tpu.dma_semaphore, #tpu.memory_space<semaphore_mem>>)
    %dma_start3A_7 = arith.constant 32 : i32
    %dma_start3A_8 = tpu.memref_slice %arg5[%dma_start3A_7] : memref<128xi32, #tpu.memory_space<vmem>> -> memref<32xi32, #tpu.memory_space<vmem>>
    %dma_start3A_9 = arith.constant 0 : i32
    %dma_start3A_10 = arith.constant 0 : i32
    %dma_start3A_11 = tpu.memref_slice %arg3[%dma_start3A_9, %dma_start3A_10] : memref<100000x768xf32, #tpu.memory_space<hbm>> -> memref<100000x768xf32, #tpu.memory_space<hbm>>
    tpu.enqueue_indirect_dma source(%dma_start3A_11 : memref<100000x768xf32, #tpu.memory_space<hbm>>) target(%arg7 : memref<32x768xf32, #tpu.memory_space<vmem>>) offsets(%dma_start3A_8 : memref<32xi32, #tpu.memory_space<vmem>>) semaphore(%arg11 : memref<!tpu.dma_semaphore, #tpu.memory_space<semaphore_mem>>)
    %dma_start3A_12 = arith.constant 64 : i32
    %dma_start3A_13 = tpu.memref_slice %arg5[%dma_start3A_12] : memref<128xi32, #tpu.memory_space<vmem>> -> memref<32xi32, #tpu.memory_space<vmem>>
    %dma_start3A_14 = arith.constant 0 : i32
    %dma_start3A_15 = arith.constant 0 : i32
    %dma_start3A_16 = tpu.memref_slice %arg3[%dma_start3A_14, %dma_start3A_15] : memref<100000x768xf32, #tpu.memory_space<hbm>> -> memref<100000x768xf32, #tpu.memory_space<hbm>>
    tpu.enqueue_indirect_dma source(%dma_start3A_16 : memref<100000x768xf32, #tpu.memory_space<hbm>>) target(%arg8 : memref<32x768xf32, #tpu.memory_space<vmem>>) offsets(%dma_start3A_13 : memref<32xi32, #tpu.memory_space<vmem>>) semaphore(%arg12 : memref<!tpu.dma_semaphore, #tpu.memory_space<semaphore_mem>>)
    %dma_start3A_17 = arith.constant 96 : i32
    %dma_start3A_18 = tpu.memref_slice %arg5[%dma_start3A_17] : memref<128xi32, #tpu.memory_space<vmem>> -> memref<32xi32, #tpu.memory_space<vmem>>
    %dma_start3A_19 = arith.constant 0 : i32
    %dma_start3A_20 = arith.constant 0 : i32
    %dma_start3A_21 = tpu.memref_slice %arg3[%dma_start3A_19, %dma_start3A_20] : memref<100000x768xf32, #tpu.memory_space<hbm>> -> memref<100000x768xf32, #tpu.memory_space<hbm>>
    tpu.enqueue_indirect_dma source(%dma_start3A_21 : memref<100000x768xf32, #tpu.memory_space<hbm>>) target(%arg9 : memref<32x768xf32, #tpu.memory_space<vmem>>) offsets(%dma_start3A_18 : memref<32xi32, #tpu.memory_space<vmem>>) semaphore(%arg13 : memref<!tpu.dma_semaphore, #tpu.memory_space<semaphore_mem>>)
    %dma_wait3A = arith.constant 0 : i32
    %dma_wait3A_22 = tpu.memref_slice %arg5[%dma_wait3A] : memref<128xi32, #tpu.memory_space<vmem>> -> memref<32xi32, #tpu.memory_space<vmem>>
    %dma_wait3A_23 = arith.constant 0 : i32
    %dma_wait3A_24 = arith.constant 0 : i32
    %dma_wait3A_25 = tpu.memref_slice %arg3[%dma_wait3A_23, %dma_wait3A_24] : memref<100000x768xf32, #tpu.memory_space<hbm>> -> memref<100000x768xf32, #tpu.memory_space<hbm>>
    tpu.wait_indirect_dma semaphore(%arg10 : memref<!tpu.dma_semaphore, #tpu.memory_space<semaphore_mem>>) src(%dma_wait3A_25 : memref<100000x768xf32, #tpu.memory_space<hbm>>) dst(%arg6 : memref<32x768xf32, #tpu.memory_space<vmem>>)
    %add3A_26 = arith.constant 0 : i32
    %add3A_27 = arith.addi %mul3A_2, %add3A_26 : i32
    %dma_start3A_28 = arith.constant 0 : i32
    %dma_start3A_29 = tpu.memref_slice %arg4[%add3A_27, %dma_start3A_28] : memref<4096x768xf32, #tpu.memory_space<hbm>> -> memref<32x768xf32, #tpu.memory_space<hbm>>
    %dma_start3A_30 = arith.constant 0 : i32
    %dma_start3A_31 = tpu.memref_slice %arg4[%add3A_27, %dma_start3A_30] : memref<4096x768xf32, #tpu.memory_space<hbm>> -> memref<32x768xf32, #tpu.memory_space<hbm>>
    tpu.enqueue_dma source(%arg6 : memref<32x768xf32, #tpu.memory_space<vmem>>) target(%dma_start3A_31 : memref<32x768xf32, #tpu.memory_space<hbm>>) target_semaphore(%arg14 : memref<!tpu.dma_semaphore, #tpu.memory_space<semaphore_mem>>)
    %dma_wait3A_32 = arith.constant 32 : i32
    %dma_wait3A_33 = tpu.memref_slice %arg5[%dma_wait3A_32] : memref<128xi32, #tpu.memory_space<vmem>> -> memref<32xi32, #tpu.memory_space<vmem>>
    %dma_wait3A_34 = arith.constant 0 : i32
    %dma_wait3A_35 = arith.constant 0 : i32
    %dma_wait3A_36 = tpu.memref_slice %arg3[%dma_wait3A_34, %dma_wait3A_35] : memref<100000x768xf32, #tpu.memory_space<hbm>> -> memref<100000x768xf32, #tpu.memory_space<hbm>>
    tpu.wait_indirect_dma semaphore(%arg11 : memref<!tpu.dma_semaphore, #tpu.memory_space<semaphore_mem>>) src(%dma_wait3A_36 : memref<100000x768xf32, #tpu.memory_space<hbm>>) dst(%arg7 : memref<32x768xf32, #tpu.memory_space<vmem>>)
    %add3A_37 = arith.constant 32 : i32
    %add3A_38 = arith.addi %mul3A_2, %add3A_37 : i32
    %dma_start3A_39 = arith.constant 0 : i32
    %dma_start3A_40 = tpu.memref_slice %arg4[%add3A_38, %dma_start3A_39] : memref<4096x768xf32, #tpu.memory_space<hbm>> -> memref<32x768xf32, #tpu.memory_space<hbm>>
    %dma_start3A_41 = arith.constant 0 : i32
    %dma_start3A_42 = tpu.memref_slice %arg4[%add3A_38, %dma_start3A_41] : memref<4096x768xf32, #tpu.memory_space<hbm>> -> memref<32x768xf32, #tpu.memory_space<hbm>>
    tpu.enqueue_dma source(%arg7 : memref<32x768xf32, #tpu.memory_space<vmem>>) target(%dma_start3A_42 : memref<32x768xf32, #tpu.memory_space<hbm>>) target_semaphore(%arg15 : memref<!tpu.dma_semaphore, #tpu.memory_space<semaphore_mem>>)
    %dma_wait3A_43 = arith.constant 64 : i32
    %dma_wait3A_44 = tpu.memref_slice %arg5[%dma_wait3A_43] : memref<128xi32, #tpu.memory_space<vmem>> -> memref<32xi32, #tpu.memory_space<vmem>>
    %dma_wait3A_45 = arith.constant 0 : i32
    %dma_wait3A_46 = arith.constant 0 : i32
    %dma_wait3A_47 = tpu.memref_slice %arg3[%dma_wait3A_45, %dma_wait3A_46] : memref<100000x768xf32, #tpu.memory_space<hbm>> -> memref<100000x768xf32, #tpu.memory_space<hbm>>
    tpu.wait_indirect_dma semaphore(%arg12 : memref<!tpu.dma_semaphore, #tpu.memory_space<semaphore_mem>>) src(%dma_wait3A_47 : memref<100000x768xf32, #tpu.memory_space<hbm>>) dst(%arg8 : memref<32x768xf32, #tpu.memory_space<vmem>>)
    %add3A_48 = arith.constant 64 : i32
    %add3A_49 = arith.addi %mul3A_2, %add3A_48 : i32
    %dma_start3A_50 = arith.constant 0 : i32
    %dma_start3A_51 = tpu.memref_slice %arg4[%add3A_49, %dma_start3A_50] : memref<4096x768xf32, #tpu.memory_space<hbm>> -> memref<32x768xf32, #tpu.memory_space<hbm>>
    %dma_start3A_52 = arith.constant 0 : i32
    %dma_start3A_53 = tpu.memref_slice %arg4[%add3A_49, %dma_start3A_52] : memref<4096x768xf32, #tpu.memory_space<hbm>> -> memref<32x768xf32, #tpu.memory_space<hbm>>
    tpu.enqueue_dma source(%arg8 : memref<32x768xf32, #tpu.memory_space<vmem>>) target(%dma_start3A_53 : memref<32x768xf32, #tpu.memory_space<hbm>>) target_semaphore(%arg16 : memref<!tpu.dma_semaphore, #tpu.memory_space<semaphore_mem>>)
    %dma_wait3A_54 = arith.constant 96 : i32
    %dma_wait3A_55 = tpu.memref_slice %arg5[%dma_wait3A_54] : memref<128xi32, #tpu.memory_space<vmem>> -> memref<32xi32, #tpu.memory_space<vmem>>
    %dma_wait3A_56 = arith.constant 0 : i32
    %dma_wait3A_57 = arith.constant 0 : i32
    %dma_wait3A_58 = tpu.memref_slice %arg3[%dma_wait3A_56, %dma_wait3A_57] : memref<100000x768xf32, #tpu.memory_space<hbm>> -> memref<100000x768xf32, #tpu.memory_space<hbm>>
    tpu.wait_indirect_dma semaphore(%arg13 : memref<!tpu.dma_semaphore, #tpu.memory_space<semaphore_mem>>) src(%dma_wait3A_58 : memref<100000x768xf32, #tpu.memory_space<hbm>>) dst(%arg9 : memref<32x768xf32, #tpu.memory_space<vmem>>)
    %add3A_59 = arith.constant 96 : i32
    %add3A_60 = arith.addi %mul3A_2, %add3A_59 : i32
    %dma_start3A_61 = arith.constant 0 : i32
    %dma_start3A_62 = tpu.memref_slice %arg4[%add3A_60, %dma_start3A_61] : memref<4096x768xf32, #tpu.memory_space<hbm>> -> memref<32x768xf32, #tpu.memory_space<hbm>>
    %dma_start3A_63 = arith.constant 0 : i32
    %dma_start3A_64 = tpu.memref_slice %arg4[%add3A_60, %dma_start3A_63] : memref<4096x768xf32, #tpu.memory_space<hbm>> -> memref<32x768xf32, #tpu.memory_space<hbm>>
    tpu.enqueue_dma source(%arg9 : memref<32x768xf32, #tpu.memory_space<vmem>>) target(%dma_start3A_64 : memref<32x768xf32, #tpu.memory_space<hbm>>) target_semaphore(%arg17 : memref<!tpu.dma_semaphore, #tpu.memory_space<semaphore_mem>>)
    %dma_wait3A_65 = arith.constant 0 : i32
    %dma_wait3A_66 = tpu.memref_slice %arg4[%add3A_27, %dma_wait3A_65] : memref<4096x768xf32, #tpu.memory_space<hbm>> -> memref<32x768xf32, #tpu.memory_space<hbm>>
    %dma_wait3A_67 = arith.constant 0 : i32
    %dma_wait3A_68 = tpu.memref_slice %arg4[%add3A_27, %dma_wait3A_67] : memref<4096x768xf32, #tpu.memory_space<hbm>> -> memref<32x768xf32, #tpu.memory_space<hbm>>
    tpu.wait_dma2 semaphore(%arg14 : memref<!tpu.dma_semaphore, #tpu.memory_space<semaphore_mem>>) src(%arg6 : memref<32x768xf32, #tpu.memory_space<vmem>>) dst(%dma_wait3A_68 : memref<32x768xf32, #tpu.memory_space<hbm>>)
    %dma_wait3A_69 = arith.constant 0 : i32
    %dma_wait3A_70 = tpu.memref_slice %arg4[%add3A_38, %dma_wait3A_69] : memref<4096x768xf32, #tpu.memory_space<hbm>> -> memref<32x768xf32, #tpu.memory_space<hbm>>
    %dma_wait3A_71 = arith.constant 0 : i32
    %dma_wait3A_72 = tpu.memref_slice %arg4[%add3A_38, %dma_wait3A_71] : memref<4096x768xf32, #tpu.memory_space<hbm>> -> memref<32x768xf32, #tpu.memory_space<hbm>>
    tpu.wait_dma2 semaphore(%arg15 : memref<!tpu.dma_semaphore, #tpu.memory_space<semaphore_mem>>) src(%arg7 : memref<32x768xf32, #tpu.memory_space<vmem>>) dst(%dma_wait3A_72 : memref<32x768xf32, #tpu.memory_space<hbm>>)
    %dma_wait3A_73 = arith.constant 0 : i32
    %dma_wait3A_74 = tpu.memref_slice %arg4[%add3A_49, %dma_wait3A_73] : memref<4096x768xf32, #tpu.memory_space<hbm>> -> memref<32x768xf32, #tpu.memory_space<hbm>>
    %dma_wait3A_75 = arith.constant 0 : i32
    %dma_wait3A_76 = tpu.memref_slice %arg4[%add3A_49, %dma_wait3A_75] : memref<4096x768xf32, #tpu.memory_space<hbm>> -> memref<32x768xf32, #tpu.memory_space<hbm>>
    tpu.wait_dma2 semaphore(%arg16 : memref<!tpu.dma_semaphore, #tpu.memory_space<semaphore_mem>>) src(%arg8 : memref<32x768xf32, #tpu.memory_space<vmem>>) dst(%dma_wait3A_76 : memref<32x768xf32, #tpu.memory_space<hbm>>)
    %dma_wait3A_77 = arith.constant 0 : i32
    %dma_wait3A_78 = tpu.memref_slice %arg4[%add3A_60, %dma_wait3A_77] : memref<4096x768xf32, #tpu.memory_space<hbm>> -> memref<32x768xf32, #tpu.memory_space<hbm>>
    %dma_wait3A_79 = arith.constant 0 : i32
    %dma_wait3A_80 = tpu.memref_slice %arg4[%add3A_60, %dma_wait3A_79] : memref<4096x768xf32, #tpu.memory_space<hbm>> -> memref<32x768xf32, #tpu.memory_space<hbm>>
    tpu.wait_dma2 semaphore(%arg17 : memref<!tpu.dma_semaphore, #tpu.memory_space<semaphore_mem>>) src(%arg9 : memref<32x768xf32, #tpu.memory_space<vmem>>) dst(%dma_wait3A_80 : memref<32x768xf32, #tpu.memory_space<hbm>>)
    return
  }
}

module attributes {stable_mosaic.version = 14 : i64} {
  func.func @_tc_ln_body_prev(%arg0: i32, %arg1: memref<8192x768xf32, #tpu.memory_space<any>>, %arg2: memref<1024x768xf32, #tpu.memory_space<vmem>>, %arg3: memref<1024x768xf32, #tpu.memory_space<vmem>>, %arg4: memref<2x768xf32, #tpu.memory_space<vmem>>, %arg5: memref<1024x1xf32, #tpu.memory_space<vmem>>, %arg6: memref<1x768xf32, #tpu.memory_space<vmem>>, %arg7: memref<1x768xf32, #tpu.memory_space<vmem>>, %arg8: memref<1024x768xf32, #tpu.memory_space<vmem>>) attributes {dimension_semantics = [#tpu.dimension_semantics<arbitrary>], iteration_bounds = array<i64: 4>, scalar_prefetch = 0 : i64, scratch_operands = 0 : i64, tpu.core_type = #tpu.core_type<tc>, window_params = [{}, {transform_indices = @transform_1, window_bounds = array<i64: 1024, 768>}, {transform_indices = @transform_2, window_bounds = array<i64: 1024, 768>}, {pipeline_mode = #tpu.pipeline_mode<synchronous>, transform_indices = @transform_3, window_bounds = array<i64: 2, 768>}, {transform_indices = @transform_4, window_bounds = array<i64: 1024, 1>}, {pipeline_mode = #tpu.pipeline_mode<synchronous>, transform_indices = @transform_5, window_bounds = array<i64: 1, 768>}, {pipeline_mode = #tpu.pipeline_mode<synchronous>, transform_indices = @transform_6, window_bounds = array<i64: 1, 768>}, {transform_indices = @transform_7, window_bounds = array<i64: 1024, 768>}]} {
    %get3A = arith.constant 0 : index
    %get3A_0 = arith.constant 0 : index
    %get3A_1 = vector.load %arg2[%get3A, %get3A_0] : memref<1024x768xf32, #tpu.memory_space<vmem>>, vector<1024x768xf32>
    %get3A_2 = arith.constant 0 : index
    %get3A_3 = arith.constant 0 : index
    %get3A_4 = vector.load %arg4[%get3A_2, %get3A_3] : memref<2x768xf32, #tpu.memory_space<vmem>>, vector<1x768xf32>
    %get3A_5 = arith.constant 1 : index
    %get3A_6 = arith.constant 0 : index
    %get3A_7 = vector.load %arg4[%get3A_5, %get3A_6] : memref<2x768xf32, #tpu.memory_space<vmem>>, vector<1x768xf32>
    %sub3A = arith.subf %get3A_7, %get3A_4 : vector<1x768xf32>
    %get3A_8 = arith.constant 0 : index
    %get3A_9 = arith.constant 0 : index
    %get3A_10 = vector.load %arg3[%get3A_8, %get3A_9] : memref<1024x768xf32, #tpu.memory_space<vmem>>, vector<1024x768xf32>
    %add3A = arith.addf %get3A_1, %get3A_10 : vector<1024x768xf32>
    %add3A_11 = vector.broadcast %get3A_4 : vector<1x768xf32> to vector<1024x768xf32>
    %add3A_12 = arith.addf %add3A, %add3A_11 : vector<1024x768xf32>
    %get3A_13 = arith.constant 0 : index
    %get3A_14 = arith.constant 0 : index
    %get3A_15 = vector.load %arg5[%get3A_13, %get3A_14] : memref<1024x1xf32, #tpu.memory_space<vmem>>, vector<1024x1xf32>
    %mul3A = vector.broadcast %get3A_15 : vector<1024x1xf32> to vector<1024x768xf32>
    %mul3A_16 = vector.broadcast %sub3A : vector<1x768xf32> to vector<1024x768xf32>
    %mul3A_17 = arith.mulf %mul3A, %mul3A_16 : vector<1024x768xf32>
    %add3A_18 = arith.addf %add3A_12, %mul3A_17 : vector<1024x768xf32>
    %reduce_sum3A = arith.constant dense<0.000000e+00> : vector<1024xf32>
    %reduce_sum3A_19 = vector.multi_reduction <add>, %add3A_18, %reduce_sum3A [1] : vector<1024x768xf32> to vector<1024xf32>
    %broadcast_in_dim3A = vector.shape_cast %reduce_sum3A_19 : vector<1024xf32> to vector<1024x1xf32>
    %div3A = arith.constant 7.680000e+02 : f32
    %div3A_20 = vector.broadcast %div3A : f32 to vector<1024x1xf32>
    %div3A_21 = arith.divf %broadcast_in_dim3A, %div3A_20 : vector<1024x1xf32>
    %sub3A_22 = vector.broadcast %div3A_21 : vector<1024x1xf32> to vector<1024x768xf32>
    %sub3A_23 = arith.subf %add3A_18, %sub3A_22 : vector<1024x768xf32>
    %integer_pow3A = arith.mulf %sub3A_23, %sub3A_23 : vector<1024x768xf32>
    %reduce_sum3A_24 = arith.constant dense<0.000000e+00> : vector<1024xf32>
    %reduce_sum3A_25 = vector.multi_reduction <add>, %integer_pow3A, %reduce_sum3A_24 [1] : vector<1024x768xf32> to vector<1024xf32>
    %broadcast_in_dim3A_26 = vector.shape_cast %reduce_sum3A_25 : vector<1024xf32> to vector<1024x1xf32>
    %div3A_27 = arith.constant 7.680000e+02 : f32
    %div3A_28 = vector.broadcast %div3A_27 : f32 to vector<1024x1xf32>
    %div3A_29 = arith.divf %broadcast_in_dim3A_26, %div3A_28 : vector<1024x1xf32>
    %sub3A_30 = vector.broadcast %div3A_21 : vector<1024x1xf32> to vector<1024x768xf32>
    %sub3A_31 = arith.subf %add3A_18, %sub3A_30 : vector<1024x768xf32>
    %add3A_32 = arith.constant 9.99999996E-13 : f32
    %add3A_33 = vector.broadcast %add3A_32 : f32 to vector<1024x1xf32>
    %add3A_34 = arith.addf %div3A_29, %add3A_33 : vector<1024x1xf32>
    %rsqrt3A = math.rsqrt %add3A_34 : vector<1024x1xf32>
    %mul3A_35 = vector.broadcast %rsqrt3A : vector<1024x1xf32> to vector<1024x768xf32>
    %mul3A_36 = arith.mulf %sub3A_31, %mul3A_35 : vector<1024x768xf32>
    %get3A_37 = arith.constant 0 : index
    %get3A_38 = arith.constant 0 : index
    %get3A_39 = vector.load %arg6[%get3A_37, %get3A_38] : memref<1x768xf32, #tpu.memory_space<vmem>>, vector<1x768xf32>
    %mul3A_40 = vector.broadcast %get3A_39 : vector<1x768xf32> to vector<1024x768xf32>
    %mul3A_41 = arith.mulf %mul3A_36, %mul3A_40 : vector<1024x768xf32>
    %get3A_42 = arith.constant 0 : index
    %get3A_43 = arith.constant 0 : index
    %get3A_44 = vector.load %arg7[%get3A_42, %get3A_43] : memref<1x768xf32, #tpu.memory_space<vmem>>, vector<1x768xf32>
    %add3A_45 = vector.broadcast %get3A_44 : vector<1x768xf32> to vector<1024x768xf32>
    %add3A_46 = arith.addf %mul3A_41, %add3A_45 : vector<1024x768xf32>
    %swap3A = arith.constant 0 : index
    %swap3A_47 = arith.constant 0 : index
    %swap3A_48 = vector.load %arg8[%swap3A, %swap3A_47] : memref<1024x768xf32, #tpu.memory_space<vmem>>, vector<1024x768xf32>
    tpu.vector_store %arg8[%swap3A, %swap3A_47], %add3A_46 {strides = array<i32>} : memref<1024x768xf32, #tpu.memory_space<vmem>>, vector<1024x768xf32>,
    return
  }
  func.func @transform_1(%arg0: i32) -> (i32, i32) {
    %c0_i32 = arith.constant 0 : i32
    %c0_i32_0 = arith.constant 0 : i32
    return %arg0, %c0_i32 : i32, i32
  }
  func.func @transform_2(%arg0: i32) -> (i32, i32) {
    %c1_i32 = arith.constant 1 : i32
    %c0_i32 = arith.constant 0 : i32
    %c0_i32_0 = arith.constant 0 : i32
    return %c1_i32, %c0_i32 : i32, i32
  }
  func.func @transform_3(%arg0: i32) -> (i32, i32) {
    %c0_i32 = arith.constant 0 : i32
    %c0_i32_0 = arith.constant 0 : i32
    %c0_i32_1 = arith.constant 0 : i32
    return %c0_i32, %c0_i32_0 : i32, i32
  }
  func.func @transform_4(%arg0: i32) -> (i32, i32) {
    %mul3A = arith.constant 2 : i32
    %mul3A_0 = arith.muli %arg0, %mul3A : i32
    %add3A = arith.constant 1 : i32
    %add3A_1 = arith.addi %mul3A_0, %add3A : i32
    %c0_i32 = arith.constant 0 : i32
    %c0_i32_2 = arith.constant 0 : i32
    return %add3A_1, %c0_i32 : i32, i32
  }
  func.func @transform_5(%arg0: i32) -> (i32, i32) {
    %c0_i32 = arith.constant 0 : i32
    %c0_i32_0 = arith.constant 0 : i32
    %c0_i32_1 = arith.constant 0 : i32
    return %c0_i32, %c0_i32_0 : i32, i32
  }
  func.func @transform_6(%arg0: i32) -> (i32, i32) {
    %c0_i32 = arith.constant 0 : i32
    %c0_i32_0 = arith.constant 0 : i32
    %c0_i32_1 = arith.constant 0 : i32
    return %c0_i32, %c0_i32_0 : i32, i32
  }
  func.func @transform_7(%arg0: i32) -> (i32, i32) {
    %mul3A = arith.constant 2 : i32
    %mul3A_0 = arith.muli %arg0, %mul3A : i32
    %add3A = arith.constant 1 : i32
    %add3A_1 = arith.addi %mul3A_0, %add3A : i32
    %c0_i32 = arith.constant 0 : i32
    %c0_i32_2 = arith.constant 0 : i32
    return %add3A_1, %c0_i32 : i32, i32
  }
}

module attributes {stable_mosaic.version = 14 : i64} {
  func.func @_tc_ln_body(%arg0: i32, %arg1: memref<1024x768xf32, #tpu.memory_space<vmem>>, %arg2: memref<1024x768xf32, #tpu.memory_space<vmem>>, %arg3: memref<2x768xf32, #tpu.memory_space<vmem>>, %arg4: memref<1024x1xf32, #tpu.memory_space<vmem>>, %arg5: memref<1x768xf32, #tpu.memory_space<vmem>>, %arg6: memref<1x768xf32, #tpu.memory_space<vmem>>, %arg7: memref<1024x768xf32, #tpu.memory_space<vmem>>) attributes {dimension_semantics = [#tpu.dimension_semantics<arbitrary>], iteration_bounds = array<i64: 4>, scalar_prefetch = 0 : i64, scratch_operands = 0 : i64, tpu.core_type = #tpu.core_type<tc>, window_params = [{transform_indices = @transform_0, window_bounds = array<i64: 1024, 768>}, {transform_indices = @transform_1, window_bounds = array<i64: 1024, 768>}, {pipeline_mode = #tpu.pipeline_mode<synchronous>, transform_indices = @transform_2, window_bounds = array<i64: 2, 768>}, {transform_indices = @transform_3, window_bounds = array<i64: 1024, 1>}, {pipeline_mode = #tpu.pipeline_mode<synchronous>, transform_indices = @transform_4, window_bounds = array<i64: 1, 768>}, {pipeline_mode = #tpu.pipeline_mode<synchronous>, transform_indices = @transform_5, window_bounds = array<i64: 1, 768>}, {transform_indices = @transform_6, window_bounds = array<i64: 1024, 768>}]} {
    %get3A = arith.constant 0 : index
    %get3A_0 = arith.constant 0 : index
    %get3A_1 = vector.load %arg1[%get3A, %get3A_0] : memref<1024x768xf32, #tpu.memory_space<vmem>>, vector<1024x768xf32>
    %get3A_2 = arith.constant 0 : index
    %get3A_3 = arith.constant 0 : index
    %get3A_4 = vector.load %arg3[%get3A_2, %get3A_3] : memref<2x768xf32, #tpu.memory_space<vmem>>, vector<1x768xf32>
    %get3A_5 = arith.constant 1 : index
    %get3A_6 = arith.constant 0 : index
    %get3A_7 = vector.load %arg3[%get3A_5, %get3A_6] : memref<2x768xf32, #tpu.memory_space<vmem>>, vector<1x768xf32>
    %sub3A = arith.subf %get3A_7, %get3A_4 : vector<1x768xf32>
    %get3A_8 = arith.constant 0 : index
    %get3A_9 = arith.constant 0 : index
    %get3A_10 = vector.load %arg2[%get3A_8, %get3A_9] : memref<1024x768xf32, #tpu.memory_space<vmem>>, vector<1024x768xf32>
    %add3A = arith.addf %get3A_1, %get3A_10 : vector<1024x768xf32>
    %add3A_11 = vector.broadcast %get3A_4 : vector<1x768xf32> to vector<1024x768xf32>
    %add3A_12 = arith.addf %add3A, %add3A_11 : vector<1024x768xf32>
    %get3A_13 = arith.constant 0 : index
    %get3A_14 = arith.constant 0 : index
    %get3A_15 = vector.load %arg4[%get3A_13, %get3A_14] : memref<1024x1xf32, #tpu.memory_space<vmem>>, vector<1024x1xf32>
    %mul3A = vector.broadcast %get3A_15 : vector<1024x1xf32> to vector<1024x768xf32>
    %mul3A_16 = vector.broadcast %sub3A : vector<1x768xf32> to vector<1024x768xf32>
    %mul3A_17 = arith.mulf %mul3A, %mul3A_16 : vector<1024x768xf32>
    %add3A_18 = arith.addf %add3A_12, %mul3A_17 : vector<1024x768xf32>
    %reduce_sum3A = arith.constant dense<0.000000e+00> : vector<1024xf32>
    %reduce_sum3A_19 = vector.multi_reduction <add>, %add3A_18, %reduce_sum3A [1] : vector<1024x768xf32> to vector<1024xf32>
    %broadcast_in_dim3A = vector.shape_cast %reduce_sum3A_19 : vector<1024xf32> to vector<1024x1xf32>
    %div3A = arith.constant 7.680000e+02 : f32
    %div3A_20 = vector.broadcast %div3A : f32 to vector<1024x1xf32>
    %div3A_21 = arith.divf %broadcast_in_dim3A, %div3A_20 : vector<1024x1xf32>
    %sub3A_22 = vector.broadcast %div3A_21 : vector<1024x1xf32> to vector<1024x768xf32>
    %sub3A_23 = arith.subf %add3A_18, %sub3A_22 : vector<1024x768xf32>
    %integer_pow3A = arith.mulf %sub3A_23, %sub3A_23 : vector<1024x768xf32>
    %reduce_sum3A_24 = arith.constant dense<0.000000e+00> : vector<1024xf32>
    %reduce_sum3A_25 = vector.multi_reduction <add>, %integer_pow3A, %reduce_sum3A_24 [1] : vector<1024x768xf32> to vector<1024xf32>
    %broadcast_in_dim3A_26 = vector.shape_cast %reduce_sum3A_25 : vector<1024xf32> to vector<1024x1xf32>
    %div3A_27 = arith.constant 7.680000e+02 : f32
    %div3A_28 = vector.broadcast %div3A_27 : f32 to vector<1024x1xf32>
    %div3A_29 = arith.divf %broadcast_in_dim3A_26, %div3A_28 : vector<1024x1xf32>
    %sub3A_30 = vector.broadcast %div3A_21 : vector<1024x1xf32> to vector<1024x768xf32>
    %sub3A_31 = arith.subf %add3A_18, %sub3A_30 : vector<1024x768xf32>
    %add3A_32 = arith.constant 9.99999996E-13 : f32
    %add3A_33 = vector.broadcast %add3A_32 : f32 to vector<1024x1xf32>
    %add3A_34 = arith.addf %div3A_29, %add3A_33 : vector<1024x1xf32>
    %rsqrt3A = math.rsqrt %add3A_34 : vector<1024x1xf32>
    %mul3A_35 = vector.broadcast %rsqrt3A : vector<1024x1xf32> to vector<1024x768xf32>
    %mul3A_36 = arith.mulf %sub3A_31, %mul3A_35 : vector<1024x768xf32>
    %get3A_37 = arith.constant 0 : index
    %get3A_38 = arith.constant 0 : index
    %get3A_39 = vector.load %arg5[%get3A_37, %get3A_38] : memref<1x768xf32, #tpu.memory_space<vmem>>, vector<1x768xf32>
    %mul3A_40 = vector.broadcast %get3A_39 : vector<1x768xf32> to vector<1024x768xf32>
    %mul3A_41 = arith.mulf %mul3A_36, %mul3A_40 : vector<1024x768xf32>
    %get3A_42 = arith.constant 0 : index
    %get3A_43 = arith.constant 0 : index
    %get3A_44 = vector.load %arg6[%get3A_42, %get3A_43] : memref<1x768xf32, #tpu.memory_space<vmem>>, vector<1x768xf32>
    %add3A_45 = vector.broadcast %get3A_44 : vector<1x768xf32> to vector<1024x768xf32>
    %add3A_46 = arith.addf %mul3A_41, %add3A_45 : vector<1024x768xf32>
    %swap3A = arith.constant 0 : index
    %swap3A_47 = arith.constant 0 : index
    %swap3A_48 = vector.load %arg7[%swap3A, %swap3A_47] : memref<1024x768xf32, #tpu.memory_space<vmem>>, vector<1024x768xf32>
    tpu.vector_store %arg7[%swap3A, %swap3A_47], %add3A_46 {strides = array<i32>} : memref<1024x768xf32, #tpu.memory_space<vmem>>, vector<1024x768xf32>,
    return
  }
  func.func @transform_0(%arg0: i32) -> (i32, i32) {
    %c0_i32 = arith.constant 0 : i32
    %c0_i32_0 = arith.constant 0 : i32
    return %arg0, %c0_i32 : i32, i32
  }
  func.func @transform_1(%arg0: i32) -> (i32, i32) {
    %c0_i32 = arith.constant 0 : i32
    %c0_i32_0 = arith.constant 0 : i32
    %c0_i32_1 = arith.constant 0 : i32
    return %c0_i32, %c0_i32_0 : i32, i32
  }
  func.func @transform_2(%arg0: i32) -> (i32, i32) {
    %c0_i32 = arith.constant 0 : i32
    %c0_i32_0 = arith.constant 0 : i32
    %c0_i32_1 = arith.constant 0 : i32
    return %c0_i32, %c0_i32_0 : i32, i32
  }
  func.func @transform_3(%arg0: i32) -> (i32, i32) {
    %mul3A = arith.constant 2 : i32
    %mul3A_0 = arith.muli %arg0, %mul3A : i32
    %add3A = arith.constant 0 : i32
    %add3A_1 = arith.addi %mul3A_0, %add3A : i32
    %c0_i32 = arith.constant 0 : i32
    %c0_i32_2 = arith.constant 0 : i32
    return %add3A_1, %c0_i32 : i32, i32
  }
  func.func @transform_4(%arg0: i32) -> (i32, i32) {
    %c0_i32 = arith.constant 0 : i32
    %c0_i32_0 = arith.constant 0 : i32
    %c0_i32_1 = arith.constant 0 : i32
    return %c0_i32, %c0_i32_0 : i32, i32
  }
  func.func @transform_5(%arg0: i32) -> (i32, i32) {
    %c0_i32 = arith.constant 0 : i32
    %c0_i32_0 = arith.constant 0 : i32
    %c0_i32_1 = arith.constant 0 : i32
    return %c0_i32, %c0_i32_0 : i32, i32
  }
  func.func @transform_6(%arg0: i32) -> (i32, i32) {
    %mul3A = arith.constant 2 : i32
    %mul3A_0 = arith.muli %arg0, %mul3A : i32
    %add3A = arith.constant 0 : i32
    %add3A_1 = arith.addi %mul3A_0, %add3A : i32
    %c0_i32 = arith.constant 0 : i32
    %c0_i32_2 = arith.constant 0 : i32
    return %add3A_1, %c0_i32 : i32, i32
  }
}

</mosaic_0001>

<sc_bundles>
// kernel: kernel.6.cloned.1.call-start
scs
__scs_entry_jumppad:
0x0: {  	(pc) =	sbr.rel $0x88, $3  }
0x1: {  	(tag) =	ssettag $0x0;
	lr =	simm.s32 $0x1  }
0x2: {  	[smem:$0x3F9A] =	sst lr;
	_ =	strace $0xD0000000  }
0x3: {  	_ = 	snop  }
0x4: {  	_ = 	snop  }
0x5: {  	_ = 	snop  }
0x6: {  	_ = 	snop  }
0x7: {  	_ = 	snop  }
__scs_overlays_trampoline_lowered:
0x8: {  	[smem:$0x3FA9] =	sst s0  }
0x9: {  	[smem:$0x3FAA] =	sst s1  }
0xa: {  	[smem:$0x3FAB] =	sst s2  }
0xb: {  	[smem:$0x3FAC] =	sst s3  }
0xc: {  	[smem:$0x3FAD] =	sst s4  }
0xd: {  	[smem:$0x3FAE] =	sst s5  }
0xe: {  	[smem:$0x3FAF] =	sst s6  }
0xf: {  	[smem:$0x3FB0] =	sst s7  }
0x10: {  	[smem:$0x3FB1] =	sst s8  }
0x11: {  	[smem:$0x3FB2] =	sst s9;
	s0 =	simm.s32 @!p0 $0x0  }
0x12: {  	s1 =	sld [smem:$0x3F98];
	s0 =	simm.s32 @p0 $0x1  }
0x13: {  	[smem:$0x3FB3] =	sst s0;
	s0 =	simm.s32 @!p1 $0x0  }
0x14: {  	s2 =	sld [smem:$0x3F97];
	s0 =	simm.s32 @p1 $0x1  }
0x15: {  	[smem:$0x3FB4] =	sst s0;
	s0 =	simm.s32 @!p2 $0x0  }
0x16: {  	s3 =	sld [smem:$0x3FDB];
	s0 =	simm.s32 @p2 $0x1  }
0x17: {  	s4 =	simm.s32 $0x1BF5;
	[smem:$0x3FB6] =	sst s0  }
0x18: {  	s0 =	sld [smem:$0x3F99];
	_ =	swait.ge [sflag:s4], $0x0  }
0x19: {  	s7 =	sld [smem:$0x3F9A]  }
0x1a: {  	s8 =	sadd.s32 $0xFFFFE003, lr  }
0x1b: {  	s9 =	sadd.s32 $0xFFFFFEF7, lr;
	s5 =	simm.s32 $0xFFFFFFFF;
	p2 =	slt.u32 s8, $0xFFFFF086  }
0x1c: {  	p1 =	slt.u32 s9, $0xF7A;
	s5 =	simm.s32 @!p2 $0x0  }
0x1d: {  	s5 =	simm.s32 @p1 $0x1;
	p0 =	seq.s32 s7, s2  }
0x1e: {  	s7 =	smul.u32 @!p0 $0xF7A, s2;
	p2 =	seq.s32 @!p0 s5, $0x0  }
0x1f: {  	s9 =	smul.u32 $0xF7A, s1;
	s8 =	simm.s32 @!p0 $0x1BF5;
	p2 =	por !p2, p0  }
0x20: {  	[sflag:s8] =	ssyncset.s32 @!p0 $0xFFFFF086;
	s6 =	sadd.s32 @!p0 s3, s7;
	s7 =	simm.s32 @!p0 $0x108  }
0x21: {  	s3 =	sadd.s32 s3, s9;
	s6 =	sadd.s32 @!p0 $0x88, s6;
	s7 =	simm.s32 @p2 $0x1082  }
0x22: {  	[simem:s7], [sflag:s8] =	dma.local @!p0 [hbm:s6], $0xF7A  }
0x23: {  	s9 =	sor.u32 $0xD0000000, s2;
	s6 =	simm.s32 $0x108;
	_ =	swait.ge @!p0 [sflag:s8], $0x0  }
0x24: {  	s3 =	sadd.s32 $0x88, s3;
	s6 =	simm.s32 @!p1 $0x1082;
	[sflag:s4] =	ssyncset.s32 $0xFFFFF086  }
0x25: {  	[simem:s6], [sflag:s4] =	dma.local [hbm:s3], $0xF7A  }
0x26: {  	[smem:$0x3F9A] =	sst s1;
	(tag) =	ssettag s2;
	_ =	strace s9  }
0x27: {  	s1 =	sld [smem:$0x3FAA]  }
0x28: {  	s2 =	sld [smem:$0x3FAB]  }
0x29: {  	s4 =	sld [smem:$0x3FAD]  }
0x2a: {  	p0 =	seq.s32 s5, $0x0;
	s5 =	sld [smem:$0x3FAE]  }
0x2b: {  	s6 =	sld [smem:$0x3FAF]  }
0x2c: {  	s7 =	sld [smem:$0x3FB0]  }
0x2d: {  	s3 =	simm.s32 $0x108;
	s8 =	sld [smem:$0x3FB1]  }
0x2e: {  	s3 =	simm.s32 @!p0 $0x1082;
	s9 =	sld [smem:$0x3FB2]  }
0x2f: {  	lr =	sadd.s32 s0, s3;
	s0 =	sld [smem:$0x3FA9]  }
0x30: {  	s3 =	sld [smem:$0x3FAC]  }
0x31: {  	[smem:$0x3FB5] =	sst s10  }
0x32: {  	s10 =	sld [smem:$0x3FB3];
	_ =	sdelay $0x3  }
0x33: {  	p0 =	seq.s32 s10, $0x1;
	s10 =	sld [smem:$0x3FB5];
	_ =	sdelay $0x3  }
0x34: {  	[smem:$0x3FB5] =	sst s10  }
0x35: {  	s10 =	sld [smem:$0x3FB4];
	_ =	sdelay $0x3  }
0x36: {  	p1 =	seq.s32 s10, $0x1;
	s10 =	sld [smem:$0x3FB5];
	_ =	sdelay $0x3  }
0x37: {  	[smem:$0x3FB5] =	sst s10  }
0x38: {  	s10 =	sld [smem:$0x3FB6]  }
0x39: {  	_ = 	snop;
	(pc) =	sbr.ind lr, $3  }
0x3a: {  	_ = 	snop  }
0x3b: {  	_ = 	snop  }
0x3c: {  	p2 =	seq.s32 s10, $0x1;
	s10 =	sld [smem:$0x3FB5]  }
0x3d: {  	_ =	shalt  }
0x3e: {  	_ =	shalt  }
0x3f: {  	_ =	shalt  }
0x40: {  	_ =	shalt  }
0x41: {  	_ =	shalt  }
0x42: {  	_ =	shalt  }
0x43: {  	_ =	shalt  }
0x44: {  	_ =	shalt  }
0x45: {  	_ =	shalt  }
0x46: {  	_ =	shalt  }
0x47: {  	_ =	shalt  }
0x48: {  	_ =	shalt  }
0x49: {  	_ =	shalt  }
0x4a: {  	_ =	shalt  }
0x4b: {  	_ =	shalt  }
0x4c: {  	_ =	shalt  }
0x4d: {  	_ =	shalt  }
0x4e: {  	_ =	shalt  }
0x4f: {  	_ =	shalt  }
0x50: {  	_ =	shalt  }
0x51: {  	_ =	shalt  }
0x52: {  	_ =	shalt  }
0x53: {  	_ =	shalt  }
0x54: {  	_ =	shalt  }
0x55: {  	_ =	shalt  }
0x56: {  	_ =	shalt  }
0x57: {  	_ =	shalt  }
0x58: {  	_ =	shalt  }
0x59: {  	_ =	shalt  }
0x5a: {  	_ =	shalt  }
0x5b: {  	_ =	shalt  }
0x5c: {  	_ =	shalt  }
0x5d: {  	_ =	shalt  }
0x5e: {  	_ =	shalt  }
0x5f: {  	_ =	shalt  }
0x60: {  	_ =	shalt  }
0x61: {  	_ =	shalt  }
0x62: {  	_ =	shalt  }
0x63: {  	_ =	shalt  }
0x64: {  	_ =	shalt  }
0x65: {  	_ =	shalt  }
0x66: {  	_ =	shalt  }
0x67: {  	_ =	shalt  }
0x68: {  	_ =	shalt  }
0x69: {  	_ =	shalt  }
0x6a: {  	_ =	shalt  }
0x6b: {  	_ =	shalt  }
0x6c: {  	_ =	shalt  }
0x6d: {  	_ =	shalt  }
0x6e: {  	_ =	shalt  }
0x6f: {  	_ =	shalt  }
0x70: {  	_ =	shalt  }
0x71: {  	_ =	shalt  }
0x72: {  	_ =	shalt  }
0x73: {  	_ =	shalt  }
0x74: {  	_ =	shalt  }
0x75: {  	_ =	shalt  }
0x76: {  	_ =	shalt  }
0x77: {  	_ =	shalt  }
0x78: {  	_ =	shalt  }
0x79: {  	_ =	shalt  }
0x7a: {  	_ =	shalt  }
0x7b: {  	_ =	shalt  }
0x7c: {  	_ =	shalt  }
0x7d: {  	_ =	shalt  }
0x7e: {  	_ =	shalt  }
0x7f: {  	_ =	shalt  }
0x80: {  	_ =	shalt  }
0x81: {  	_ =	shalt  }
0x82: {  	_ =	shalt  }
0x83: {  	_ =	shalt  }
0x84: {  	_ =	shalt  }
0x85: {  	_ =	shalt  }
0x86: {  	_ =	shalt  }
0x87: {  	_ =	shalt  }
.Lfunc_end0:
.L_simem_size_0:
called_computation_lowered:
.L_overlay_start_0:
0x88: {  	s2 =	sld [smem:$0x3FD9]  }
0x89: {  	s3 =	sld [smem:$0x3FFE];
	_ =	sdelay $0x1  }
0x8a: {  	s1 =	srdreg.scid  }
0x8b: {  	s0 =	sand.u32 $0x1, s1  }
0x8c: {  	s17 =	sshll.u32 s0, $0xA;
	s2 =	sadd.s32 s3, s2  }
0x8d: {  	s2 =	sadd.s32 s2, s17  }
0x8e: {  	[smem:$0x3FC1] =	sst s2  }
0x8f: {  	_ = 	snop  }
0x90: {  	s2 =	sld [smem:$0x3FC7]  }
0x91: {  	s18 =	sld [smem:$0x3FD0];
	(tm) =	ssettm $0x1  }
0x92: {  	s4 =	sld [smem:$0x3FFB];
	_ =	sdelay $0x3  }
0x93: {  	_ =	strace s4  }
0x94: {  	s4 =	sld [smem:$0x3FFC];
	_ =	sdelay $0x3  }
0x95: {  	_ =	strace s4  }
0x96: {  	s4 =	sld [smem:$0x3FFD];
	_ =	sdelay $0x3  }
0x97: {  	_ =	strace s4  }
0x98: {  	_ =	strace $0x8FFFFFFF  }
0x99: {  	s19 =	sld [smem:$0x3FDB];
	_ =	sdelay $0x1  }
0x9a: {  	s5 =	simm.s32 $_scs_section_size  }
0x9b: {  	s6 =	simm.s32 $_size__tile_overlayer_lowered;
	s7 =	simm.s32 $_tile_overlayer_lowered  }
0x9c: {  	s22 =	simm.s32 $0x1BFF;
	s21 =	sshll.u32 s7, $0x1;
	s4 =	sadd.s32 s5, s19  }
0x9d: {  	s8 =	simm.s32 $0x0;
	s20 =	sshll.u32 s6, $0x1;
	s6 =	sadd.s32 s21, s4  }
0x9e: {  	[timem:s8], [sflag:s22] =	dma.local [hbm:s6], s20  }
0x9f: {  	_ =	swait.ge [sflag:s22], s20  }
0xa0: {  	s5 =	ssub.s32 $0x0, s20;
	[sflag:s22] =	ssyncset.done $0x0  }
0xa1: {  	[sflag:s22] =	ssyncadd.s32 s5;
	_ =	sdelay $0x1  }
0xa2: {  	s23 =	simm.s32 $0x1B8B  }
0xa3: {  	_ =	swait.ge [sflag:s23], $0x1  }
0xa4: {  	[sflag:s23] =	ssyncset.done $0x0  }
0xa5: {  	s25 =	simm.s32 $0x1B8E;
	s24 =	sld [smem:$0x3FFE];
	[sflag:s23] =	ssyncadd.s32 $0xFFFFFFFF  }
0xa6: {  	s26 =	simm.s32 $execute0_lowered;
	[smem:$0x3FD2] =	sst s25  }
0xa7: {  	s6 =	sshll.u32 s26, $0x1;
	_ =	strace $0x80000046;
	[dreg:$0x1] =	wrdreg $0xFFFFFFFF  }
0xa8: {  	s28 =	simm.s32 $_size_execute0_lowered;
	s4 =	sadd.s32 s4, s6;
	[dreg:$0x0] =	wrdreg $0x0  }
0xa9: {  	s6 =	sshll.u32 s28, $0x1;
	[dreg:$0x2] =	wrdreg s4  }
0xaa: {  	[dreg:$0x3] =	wrdreg s6  }
0xab: {  	[dreg:$0x4] =	wrdreg $0xC0  }
0xac: {  	_ =	task [dreg:s8], $0x5FFFF  }
0xad: {  	[dreg:$0x1] =	wrdreg $0xFFFFFFFF  }
0xae: {  	[dreg:$0x0] =	wrdreg $0x60  }
0xaf: {  	[dreg:$0x2] =	wrdreg s18  }
0xb0: {  	[dreg:$0x3] =	wrdreg s2  }
0xb1: {  	[dreg:$0x4] =	wrdreg s24  }
0xb2: {  	[dreg:$0x5] =	wrdreg $0x9  }
0xb3: {  	_ =	task.clear_ibuf [dreg:s8], $0x6FFFF;
	_ =	strace $0x90000046  }
0xb4: {  	s29 =	simm.s32 $0x9;
	_ =	strace $0x80000048  }
0xb5: {  	_ =	swait.ge [sflag:s29], $0x1  }
0xb6: {  	[sflag:s29] =	ssyncadd.s32 $0xFFFFFFFF  }
0xb7: {  	_ =	strace $0x90000048  }
0xb8: {  	_ =	sfence  }
0xb9: {  	s30 =	sld [smem:$0x0];
	_ =	sdelay $0x2  }
0xba: {  	s31 =	sshll.u32 s1, $0xD;
	s1 =	sshrl.u32 s1, $0x2  }
0xbb: {  	s3 =	sand.u32 $0x4000, s31;
	s1 =	sadd.s32 s1, s30  }
0xbc: {  	s0 =	sor.u32 s3, s0;
	s1 =	sshll.u32 s1, $0x11  }
0xbd: {  	s0 =	sor.u32 s1, s0  }
0xbe: {  	s0 =	sadd.s32 $0x8F2B, s0  }
0xbf: {  	[sflag:s0] =	ssyncadd.remote.s32 $0x1  }
0xc0: {  	_ =	sfence.sel $0xFFFF  }
0xc1: {  	[dreg:$0x0] =	wrdreg $0xFFFFFFFF;
	(pc) =	sbr.abs _section_cstart, $3  }
0xc2: {  	[dreg:$0x1] =	wrdreg $0xFFFFFFFF  }
0xc3: {  	_ =	task.clear_ibuf [dreg:s8], $0x2FFFF;
	_ =	strace $0x9FFFFFFF  }
0xc4: {  	(tm) =	ssettm $0x7FFFFFFF  }
0xc5: {  	_ =	shalt  }
tec
execute0_lowered:
.L_overlay_start_1:
0x0: {  	(tag) =	ssettag $0x1  }
0x1: {  	s1 =	srdreg.scid  }
0x2: {  	s0 =	stileid.u32;
	s1 =	sand.u32 $0x1, s1  }
0x3: {  	s4 =	rddreg [dreg:$0x0];
	s3 =	sshll.u32 s0, $0x5;
	s5 =	sshll.u32 s1, $0x4  }
0x4: {  	s2 =	rddreg [dreg:$0x1];
	s5 =	sor.u32 s5, s3  }
0x5: {  	s6 =	rddreg [dreg:$0x2];
	s3 =	simm.s32 $0x0;
	s7 =	smul.u32 $0x300, s5  }
0x6: {  	[smem:$0x7FF] =	sst s3;
	s8 =	smul.u32 $0x1800, s5;
	s5 =	sadd.s32 s4, s5  }
0x7: {  	s15 =	simm.s32 $0x880;
	_ =	strace $0x80000047;
	[dreg:$0x4] =	wrdreg s5  }
0x8: {  	s16 =	simm.s32 $0x1080;
	[dreg:$0x8] =	wrdreg s15  }
0x9: {  	s17 =	simm.s32 $0x1880;
	[dreg:$0x9] =	wrdreg s16  }
0xa: {  	s18 =	simm.s32 $0x2080;
	[dreg:$0xa] =	wrdreg s17  }
0xb: {  	s19 =	simm.s32 $0x2880;
	[dreg:$0xb] =	wrdreg s18  }
0xc: {  	s20 =	simm.s32 $0x3080;
	[dreg:$0xc] =	wrdreg s19  }
0xd: {  	s21 =	simm.s32 $0x3880;
	[dreg:$0xd] =	wrdreg s20  }
0xe: {  	s22 =	simm.s32 $0x4080;
	[dreg:$0xe] =	wrdreg s21  }
0xf: {  	s23 =	simm.s32 $0x4880;
	[dreg:$0xf] =	wrdreg s22  }
0x10: {  	s24 =	simm.s32 $0x5080;
	[dreg:$0x10] =	wrdreg s23  }
0x11: {  	s25 =	simm.s32 $0x5880;
	[dreg:$0x11] =	wrdreg s24  }
0x12: {  	s26 =	simm.s32 $0x6880;
	s9 =	simm.s32 $0x9080;
	[dreg:$0x12] =	wrdreg s25  }
0x13: {  	s10 =	simm.s32 $0x9880;
	s0 =	simm.s32 $0x7080;
	[dreg:$0x13] =	wrdreg s26  }
0x14: {  	s28 =	simm.s32 $0x4;
	s29 =	simm.s32 $0x5;
	[dreg:$0x14] =	wrdreg s0  }
0x15: {  	s30 =	simm.s32 $0x6;
	s31 =	simm.s32 $0x7;
	[dreg:$0x18] =	wrdreg s9  }
0x16: {  	s6 =	sadd.s32 $0x1800, s6;
	[dreg:$0x19] =	wrdreg s10;
	s15 =	simm.s32 $0xC880  }
0x17: {  	s1 =	ssub.s32 $0x2, s1;
	s16 =	simm.s32 $0xD080;
	[dreg:$0x1e] =	wrdreg s15  }
0x18: {  	s17 =	sshrl.u32 s1, $0x1;
	s18 =	simm.s32 $0xD880;
	[dreg:$0x1f] =	wrdreg s16  }
0x19: {  	s19 =	simm.s32 $0xE080;
	s5 =	sadd.s32 $0x100, s2;
	[smem:$0x7F5] =	sst s18  }
0x1a: {  	s20 =	simm.s32 $0xE880;
	s21 =	simm.s32 $0xF080;
	[smem:$0x7F6] =	sst s19  }
0x1b: {  	s22 =	simm.s32 $0xF880;
	s23 =	simm.s32 $0x10080;
	[smem:$0x7F7] =	sst s20  }
0x1c: {  	s9 =	simm.s32 $0x80;
	s24 =	simm.s32 $0x10880;
	[smem:$0x7F8] =	sst s21  }
0x1d: {  	s10 =	simm.s32 $0x6080;
	s25 =	simm.s32 $0x11080;
	[smem:$0x7F9] =	sst s22  }
0x1e: {  	s26 =	simm.s32 $0x11880;
	s4 =	sadd.s32 s6, s7;
	[smem:$0x7FA] =	sst s23  }
0x1f: {  	s11 =	sshrl.u32 s8, $0x3;
	s7 =	simm.s32 $0x8080;
	[smem:$0x7FB] =	sst s24  }
0x20: {  	s8 =	simm.s32 $0x8880;
	s1 =	ssub.s32 s1, s17;
	[smem:$0x7FC] =	sst s25  }
0x21: {  	[smem:$0x7FD] =	sst s26;
	s15 =	simm.s32 $0x13880;
	s16 =	simm.s32 $0x14080  }
0x22: {  	s17 =	simm.s32 $0x14880;
	s18 =	simm.s32 $0x15080;
	s19 =	simm.s32 $0x15880  }
0x23: {  	s20 =	simm.s32 $0x16080;
	s21 =	simm.s32 $0x16880;
	s22 =	simm.s32 $0x17080  }
0x24: {  	s23 =	simm.s32 $0x17880;
	s24 =	simm.s32 $0x1;
	[dreg:$0x16] =	wrdreg s7  }
0x25: {  	s25 =	simm.s32 $0x2;
	s12 =	sadd.s32 $0xC00, s4;
	[dreg:$0x17] =	wrdreg s8  }
0x26: {  	s6 =	sadd.s32 s6, s11;
	s11 =	simm.s32 $0xA080;
	[dreg:$0x5] =	wrdreg s12  }
0x27: {  	s26 =	simm.s32 $0x3;
	s13 =	sadd.s32 $0x1800, s6;
	[dreg:$0x1a] =	wrdreg s11  }
0x28: {  	s7 =	smax.u32 s1, $0x1;
	s14 =	sadd.s32 $0x2400, s6;
	[dreg:$0x6] =	wrdreg s13  }
0x29: {  	s8 =	simm.s32 $0x9;
	s6 =	simm.s32 $0x7880;
	[dreg:$0x7] =	wrdreg s14  }
0x2a: {  	s1 =	simm.s32 $0x8;
	s12 =	simm.s32 $0xA880;
	[dreg:$0x15] =	wrdreg s6  }
0x2b: {  	v2 =	vlaneseq.u32;
	s11 =	simm.s32 $0xC080;
	[dreg:$0x1b] =	wrdreg s12;
	s13 =	simm.s32 $0xB080  }
0x2c: {  	vm0 =	vmmov $0xffff;
	v1 =	vshrl.u32 v2, $0x3;
	s14 =	simm.s32 $0xB880;
	s6 =	sadd.s32 $0x200, s2;
	[dreg:$0x1c] =	wrdreg s13  }
0x2d: {  	v0 =	vand.u32 $0x7, v2;
	v2 =	vor.u32 $0x8, v2;
	v1 =	vmul.u32 $0x8, v1;
	s12 =	simm.s32 $0x12080;
	[dreg:$0x1d] =	wrdreg s14;
	s14 =	simm.s32 $0x13080  }
.LBB2_1:
0x2e: {  	s0 =	rddreg [dreg:$0x4]  }
0x2f: {  	[tilespmem:s3], [sflag:$0x9] =	stream.linear.gather [hbm4b:s0+s3], $0x80, $0x38;
	[tilespmem:$0x18080] =	vst v63  }
0x30: {  	_ =	swait.ge [sflag:s8], $0x80  }
0x31: {  	[sflag:s8] =	ssyncset.done $0x0  }
0x32: {  	[sflag:s8] =	ssyncadd.s32 $0xFFFFFF80  }
0x33: {  	v3 =	vld [tilespmem:$0x0];
	_ =	sdelay $0x4  }
0x34: {  	v4 =	vshrl.u32 v3, $0x3  }
0x35: {  	v4 =	vmul.u32 $0x30, v4  }
0x36: {  	v3 =	vand.u32 $0x7, v3  }
0x37: {  	v3 =	vor.u32 v3, v4  }
0x38: {  	v4 =	vperm.xlane v3, v0;
	_ =	sdelay $0x1  }
0x39: {  	v4 =	vadd.s32 v1, v4;
	_ =	sdelay $0x3  }
0x3a: {  	v3 =	vperm.xlane v3, v2  }
0x3b: {  	[tilespmem:s9], [sflag:$0x1] =	stream.indirect_vreg.gather [hbm4b:s2+s3], $0x80, v4, vm0, $0xb8;
	[tilespmem:$0x18080] =	vst v63  }
0x3c: {  	s0 =	rddreg [dreg:$0x8];
	v3 =	vadd.s32 v1, v3  }
0x3d: {  	[tilespmem:s0], [sflag:$0x1] =	stream.indirect_vreg.gather [hbm4b:s5+s3], $0x80, v4, vm0, $0xb8;
	[tilespmem:$0x18080] =	vst v63  }
0x3e: {  	s13 =	rddreg [dreg:$0x9]  }
0x3f: {  	[tilespmem:s13], [sflag:$0x1] =	stream.indirect_vreg.gather [hbm4b:s6+s3], $0x80, v4, vm0, $0xb8;
	[tilespmem:$0x18080] =	vst v63  }
0x40: {  	s0 =	rddreg [dreg:$0xa]  }
0x41: {  	[tilespmem:s0], [sflag:$0x1] =	stream.indirect_vreg.gather [hbm4b:s2+s3], $0x80, v3, vm0, $0xb8;
	[tilespmem:$0x18080] =	vst v63  }
0x42: {  	s13 =	rddreg [dreg:$0xb]  }
0x43: {  	[tilespmem:s13], [sflag:$0x1] =	stream.indirect_vreg.gather [hbm4b:s5+s3], $0x80, v3, vm0, $0xb8;
	[tilespmem:$0x18080] =	vst v63  }
0x44: {  	s0 =	rddreg [dreg:$0xc]  }
0x45: {  	[tilespmem:s0], [sflag:$0x1] =	stream.indirect_vreg.gather [hbm4b:s6+s3], $0x80, v3, vm0, $0xb8;
	[tilespmem:$0x18080] =	vst v63  }
0x46: {  	v3 =	vld [tilespmem:$0x10];
	_ =	sdelay $0x4  }
0x47: {  	v57 =	vshrl.u32 v3, $0x3  }
0x48: {  	v4 =	vmul.u32 $0x30, v57  }
0x49: {  	v3 =	vand.u32 $0x7, v3  }
0x4a: {  	v3 =	vor.u32 v3, v4  }
0x4b: {  	v4 =	vperm.xlane v3, v0;
	_ =	sdelay $0x1  }
0x4c: {  	v4 =	vadd.s32 v1, v4;
	_ =	sdelay $0x3  }
0x4d: {  	s0 =	rddreg [dreg:$0xd];
	v3 =	vperm.xlane v3, v2  }
0x4e: {  	[tilespmem:s0], [sflag:$0x1] =	stream.indirect_vreg.gather [hbm4b:s2+s3], $0x80, v4, vm0, $0xb8;
	[tilespmem:$0x18080] =	vst v63  }
0x4f: {  	s13 =	rddreg [dreg:$0xe];
	v3 =	vadd.s32 v1, v3  }
0x50: {  	[tilespmem:s13], [sflag:$0x1] =	stream.indirect_vreg.gather [hbm4b:s5+s3], $0x80, v4, vm0, $0xb8;
	[tilespmem:$0x18080] =	vst v63  }
0x51: {  	s0 =	rddreg [dreg:$0xf]  }
0x52: {  	[tilespmem:s0], [sflag:$0x1] =	stream.indirect_vreg.gather [hbm4b:s6+s3], $0x80, v4, vm0, $0xb8;
	[tilespmem:$0x18080] =	vst v63  }
0x53: {  	s13 =	rddreg [dreg:$0x10]  }
0x54: {  	[tilespmem:s13], [sflag:$0x1] =	stream.indirect_vreg.gather [hbm4b:s2+s3], $0x80, v3, vm0, $0xb8;
	[tilespmem:$0x18080] =	vst v63  }
0x55: {  	s0 =	rddreg [dreg:$0x11]  }
0x56: {  	[tilespmem:s0], [sflag:$0x1] =	stream.indirect_vreg.gather [hbm4b:s5+s3], $0x80, v3, vm0, $0xb8;
	[tilespmem:$0x18080] =	vst v63  }
0x57: {  	s13 =	rddreg [dreg:$0x12]  }
0x58: {  	[tilespmem:s13], [sflag:$0x1] =	stream.indirect_vreg.gather [hbm4b:s6+s3], $0x80, v3, vm0, $0xb8;
	[tilespmem:$0x18080] =	vst v63  }
0x59: {  	v3 =	vld [tilespmem:$0x20];
	_ =	sdelay $0x4  }
0x5a: {  	v58 =	vshrl.u32 v3, $0x3  }
0x5b: {  	v4 =	vmul.u32 $0x30, v58  }
0x5c: {  	v3 =	vand.u32 $0x7, v3  }
0x5d: {  	v3 =	vor.u32 v3, v4  }
0x5e: {  	v4 =	vperm.xlane v3, v0;
	_ =	sdelay $0x1  }
0x5f: {  	v4 =	vadd.s32 v1, v4;
	_ =	sdelay $0x3  }
0x60: {  	v3 =	vperm.xlane v3, v2  }
0x61: {  	[tilespmem:s10], [sflag:$0x2] =	stream.indirect_vreg.gather [hbm4b:s2+s3], $0x80, v4, vm0, $0xb8;
	[tilespmem:$0x18080] =	vst v63  }
0x62: {  	s0 =	rddreg [dreg:$0x13];
	v3 =	vadd.s32 v1, v3  }
0x63: {  	[tilespmem:s0], [sflag:$0x2] =	stream.indirect_vreg.gather [hbm4b:s5+s3], $0x80, v4, vm0, $0xb8;
	[tilespmem:$0x18080] =	vst v63  }
0x64: {  	s13 =	rddreg [dreg:$0x14]  }
0x65: {  	[tilespmem:s13], [sflag:$0x2] =	stream.indirect_vreg.gather [hbm4b:s6+s3], $0x80, v4, vm0, $0xb8;
	[tilespmem:$0x18080] =	vst v63  }
0x66: {  	s0 =	rddreg [dreg:$0x15]  }
0x67: {  	[tilespmem:s0], [sflag:$0x2] =	stream.indirect_vreg.gather [hbm4b:s2+s3], $0x80, v3, vm0, $0xb8;
	[tilespmem:$0x18080] =	vst v63  }
0x68: {  	s13 =	rddreg [dreg:$0x16]  }
0x69: {  	[tilespmem:s13], [sflag:$0x2] =	stream.indirect_vreg.gather [hbm4b:s5+s3], $0x80, v3, vm0, $0xb8;
	[tilespmem:$0x18080] =	vst v63  }
0x6a: {  	s0 =	rddreg [dreg:$0x17]  }
0x6b: {  	[tilespmem:s0], [sflag:$0x2] =	stream.indirect_vreg.gather [hbm4b:s6+s3], $0x80, v3, vm0, $0xb8;
	[tilespmem:$0x18080] =	vst v63  }
0x6c: {  	v3 =	vld [tilespmem:$0x30];
	_ =	sdelay $0x4  }
0x6d: {  	v59 =	vshrl.u32 v3, $0x3  }
0x6e: {  	v4 =	vmul.u32 $0x30, v59  }
0x6f: {  	v3 =	vand.u32 $0x7, v3  }
0x70: {  	v3 =	vor.u32 v3, v4  }
0x71: {  	v4 =	vperm.xlane v3, v0;
	_ =	sdelay $0x1  }
0x72: {  	v4 =	vadd.s32 v1, v4;
	_ =	sdelay $0x3  }
0x73: {  	s0 =	rddreg [dreg:$0x18];
	v3 =	vperm.xlane v3, v2  }
0x74: {  	[tilespmem:s0], [sflag:$0x2] =	stream.indirect_vreg.gather [hbm4b:s2+s3], $0x80, v4, vm0, $0xb8;
	[tilespmem:$0x18080] =	vst v63  }
0x75: {  	s13 =	rddreg [dreg:$0x19];
	v3 =	vadd.s32 v1, v3  }
0x76: {  	[tilespmem:s13], [sflag:$0x2] =	stream.indirect_vreg.gather [hbm4b:s5+s3], $0x80, v4, vm0, $0xb8;
	[tilespmem:$0x18080] =	vst v63  }
0x77: {  	s0 =	rddreg [dreg:$0x1a]  }
0x78: {  	[tilespmem:s0], [sflag:$0x2] =	stream.indirect_vreg.gather [hbm4b:s6+s3], $0x80, v4, vm0, $0xb8;
	[tilespmem:$0x18080] =	vst v63  }
0x79: {  	s13 =	rddreg [dreg:$0x1b]  }
0x7a: {  	[tilespmem:s13], [sflag:$0x2] =	stream.indirect_vreg.gather [hbm4b:s2+s3], $0x80, v3, vm0, $0xb8;
	[tilespmem:$0x18080] =	vst v63  }
0x7b: {  	s0 =	rddreg [dreg:$0x1c]  }
0x7c: {  	[tilespmem:s0], [sflag:$0x2] =	stream.indirect_vreg.gather [hbm4b:s5+s3], $0x80, v3, vm0, $0xb8;
	[tilespmem:$0x18080] =	vst v63  }
0x7d: {  	s13 =	rddreg [dreg:$0x1d]  }
0x7e: {  	[tilespmem:s13], [sflag:$0x2] =	stream.indirect_vreg.gather [hbm4b:s6+s3], $0x80, v3, vm0, $0xb8;
	[tilespmem:$0x18080] =	vst v63  }
0x7f: {  	v3 =	vld [tilespmem:$0x40];
	_ =	sdelay $0x4  }
0x80: {  	v60 =	vshrl.u32 v3, $0x3  }
0x81: {  	v4 =	vmul.u32 $0x30, v60  }
0x82: {  	v3 =	vand.u32 $0x7, v3  }
0x83: {  	v3 =	vor.u32 v3, v4  }
0x84: {  	v4 =	vperm.xlane v3, v0;
	_ =	sdelay $0x1  }
0x85: {  	v4 =	vadd.s32 v1, v4;
	_ =	sdelay $0x3  }
0x86: {  	s0 =	rddreg [dreg:$0x1e];
	v3 =	vperm.xlane v3, v2  }
0x87: {  	[tilespmem:s11], [sflag:$0x3] =	stream.indirect_vreg.gather [hbm4b:s2+s3], $0x80, v4, vm0, $0xb8;
	[tilespmem:$0x18080] =	vst v63  }
0x88: {  	s13 =	rddreg [dreg:$0x1f];
	v3 =	vadd.s32 v1, v3  }
0x89: {  	[tilespmem:s0], [sflag:$0x3] =	stream.indirect_vreg.gather [hbm4b:s5+s3], $0x80, v4, vm0, $0xb8;
	[tilespmem:$0x18080] =	vst v63  }
0x8a: {  	s0 =	sld [smem:$0x7F5]  }
0x8b: {  	[tilespmem:s13], [sflag:$0x3] =	stream.indirect_vreg.gather [hbm4b:s6+s3], $0x80, v4, vm0, $0xb8;
	[tilespmem:$0x18080] =	vst v63  }
0x8c: {  	s13 =	sld [smem:$0x7F6]  }
0x8d: {  	[tilespmem:s0], [sflag:$0x3] =	stream.indirect_vreg.gather [hbm4b:s2+s3], $0x80, v3, vm0, $0xb8;
	[tilespmem:$0x18080] =	vst v63  }
0x8e: {  	s0 =	sld [smem:$0x7F7]  }
0x8f: {  	[tilespmem:s13], [sflag:$0x3] =	stream.indirect_vreg.gather [hbm4b:s5+s3], $0x80, v3, vm0, $0xb8;
	[tilespmem:$0x18080] =	vst v63  }
0x90: {  	_ = 	snop  }
0x91: {  	[tilespmem:s0], [sflag:$0x3] =	stream.indirect_vreg.gather [hbm4b:s6+s3], $0x80, v3, vm0, $0xb8;
	[tilespmem:$0x18080] =	vst v63  }
0x92: {  	v3 =	vld [tilespmem:$0x50];
	_ =	sdelay $0x4  }
0x93: {  	v61 =	vshrl.u32 v3, $0x3  }
0x94: {  	v4 =	vmul.u32 $0x30, v61  }
0x95: {  	v3 =	vand.u32 $0x7, v3  }
0x96: {  	v3 =	vor.u32 v3, v4  }
0x97: {  	v4 =	vperm.xlane v3, v0;
	_ =	sdelay $0x1  }
0x98: {  	v4 =	vadd.s32 v1, v4;
	_ =	sdelay $0x1  }
0x99: {  	s0 =	sld [smem:$0x7F8];
	_ =	sdelay $0x1  }
0x9a: {  	s13 =	sld [smem:$0x7F9];
	v3 =	vperm.xlane v3, v2  }
0x9b: {  	[tilespmem:s0], [sflag:$0x3] =	stream.indirect_vreg.gather [hbm4b:s2+s3], $0x80, v4, vm0, $0xb8;
	[tilespmem:$0x18080] =	vst v63  }
0x9c: {  	v3 =	vadd.s32 v1, v3;
	s0 =	sld [smem:$0x7FA]  }
0x9d: {  	[tilespmem:s13], [sflag:$0x3] =	stream.indirect_vreg.gather [hbm4b:s5+s3], $0x80, v4, vm0, $0xb8;
	[tilespmem:$0x18080] =	vst v63  }
0x9e: {  	s13 =	sld [smem:$0x7FB]  }
0x9f: {  	[tilespmem:s0], [sflag:$0x3] =	stream.indirect_vreg.gather [hbm4b:s6+s3], $0x80, v4, vm0, $0xb8;
	[tilespmem:$0x18080] =	vst v63  }
0xa0: {  	s0 =	sld [smem:$0x7FC]  }
0xa1: {  	[tilespmem:s13], [sflag:$0x3] =	stream.indirect_vreg.gather [hbm4b:s2+s3], $0x80, v3, vm0, $0xb8;
	[tilespmem:$0x18080] =	vst v63  }
0xa2: {  	s13 =	sld [smem:$0x7FD]  }
0xa3: {  	[tilespmem:s0], [sflag:$0x3] =	stream.indirect_vreg.gather [hbm4b:s5+s3], $0x80, v3, vm0, $0xb8;
	[tilespmem:$0x18080] =	vst v63  }
0xa4: {  	_ = 	snop  }
0xa5: {  	[tilespmem:s13], [sflag:$0x3] =	stream.indirect_vreg.gather [hbm4b:s6+s3], $0x80, v3, vm0, $0xb8;
	[tilespmem:$0x18080] =	vst v63  }
0xa6: {  	v3 =	vld [tilespmem:$0x60];
	_ =	sdelay $0x4  }
0xa7: {  	v62 =	vshrl.u32 v3, $0x3  }
0xa8: {  	v4 =	vmul.u32 $0x30, v62  }
0xa9: {  	v3 =	vand.u32 $0x7, v3  }
0xaa: {  	v3 =	vor.u32 v3, v4  }
0xab: {  	v4 =	vperm.xlane v3, v0;
	_ =	sdelay $0x1  }
0xac: {  	v4 =	vadd.s32 v1, v4;
	_ =	sdelay $0x3  }
0xad: {  	v3 =	vperm.xlane v3, v2  }
0xae: {  	[tilespmem:s12], [sflag:$0x4] =	stream.indirect_vreg.gather [hbm4b:s2+s3], $0x80, v4, vm0, $0xb8;
	[tilespmem:$0x18080] =	vst v63  }
0xaf: {  	s13 =	simm.s32 $0x12880;
	v3 =	vadd.s32 v1, v3  }
0xb0: {  	[tilespmem:s13], [sflag:$0x4] =	stream.indirect_vreg.gather [hbm4b:s5+s3], $0x80, v4, vm0, $0xb8;
	[tilespmem:$0x18080] =	vst v63  }
0xb1: {  	_ = 	snop  }
0xb2: {  	[tilespmem:s14], [sflag:$0x4] =	stream.indirect_vreg.gather [hbm4b:s6+s3], $0x80, v4, vm0, $0xb8;
	[tilespmem:$0x18080] =	vst v63  }
0xb3: {  	_ = 	snop  }
0xb4: {  	[tilespmem:s15], [sflag:$0x4] =	stream.indirect_vreg.gather [hbm4b:s2+s3], $0x80, v3, vm0, $0xb8;
	[tilespmem:$0x18080] =	vst v63  }
0xb5: {  	_ = 	snop  }
0xb6: {  	[tilespmem:s16], [sflag:$0x4] =	stream.indirect_vreg.gather [hbm4b:s5+s3], $0x80, v3, vm0, $0xb8;
	[tilespmem:$0x18080] =	vst v63  }
0xb7: {  	_ = 	snop  }
0xb8: {  	[tilespmem:s17], [sflag:$0x4] =	stream.indirect_vreg.gather [hbm4b:s6+s3], $0x80, v3, vm0, $0xb8;
	[tilespmem:$0x18080] =	vst v63  }
0xb9: {  	v3 =	vld [tilespmem:$0x70];
	_ =	sdelay $0x4  }
0xba: {  	v63 =	vshrl.u32 v3, $0x3  }
0xbb: {  	v4 =	vmul.u32 $0x30, v63  }
0xbc: {  	v3 =	vand.u32 $0x7, v3  }
0xbd: {  	v3 =	vor.u32 v3, v4  }
0xbe: {  	v4 =	vperm.xlane v3, v0;
	_ =	sdelay $0x1  }
0xbf: {  	v4 =	vadd.s32 v1, v4;
	_ =	sdelay $0x3  }
0xc0: {  	v3 =	vperm.xlane v3, v2  }
0xc1: {  	[tilespmem:s18], [sflag:$0x4] =	stream.indirect_vreg.gather [hbm4b:s2+s3], $0x80, v4, vm0, $0xb8;
	[tilespmem:$0x18080] =	vst v63  }
0xc2: {  	v3 =	vadd.s32 v1, v3  }
0xc3: {  	[tilespmem:s19], [sflag:$0x4] =	stream.indirect_vreg.gather [hbm4b:s5+s3], $0x80, v4, vm0, $0xb8;
	[tilespmem:$0x18080] =	vst v63  }
0xc4: {  	_ = 	snop  }
0xc5: {  	[tilespmem:s20], [sflag:$0x4] =	stream.indirect_vreg.gather [hbm4b:s6+s3], $0x80, v4, vm0, $0xb8;
	[tilespmem:$0x18080] =	vst v63  }
0xc6: {  	_ = 	snop  }
0xc7: {  	[tilespmem:s21], [sflag:$0x4] =	stream.indirect_vreg.gather [hbm4b:s2+s3], $0x80, v3, vm0, $0xb8;
	[tilespmem:$0x18080] =	vst v63  }
0xc8: {  	_ = 	snop  }
0xc9: {  	[tilespmem:s22], [sflag:$0x4] =	stream.indirect_vreg.gather [hbm4b:s5+s3], $0x80, v3, vm0, $0xb8;
	[tilespmem:$0x18080] =	vst v63  }
0xca: {  	_ = 	snop  }
0xcb: {  	[tilespmem:s23], [sflag:$0x4] =	stream.indirect_vreg.gather [hbm4b:s6+s3], $0x80, v3, vm0, $0xb8;
	[tilespmem:$0x18080] =	vst v63  }
0xcc: {  	_ =	swait.ge [sflag:s24], $0x6000  }
0xcd: {  	[sflag:s24] =	ssyncset.done $0x0  }
0xce: {  	[sflag:s24] =	ssyncadd.s32 $0xFFFFA000  }
0xcf: {  	[hbm4b:s4+s3] =	stream.linear.scatter [tilespmem:s9], [sflag:$0x5], $0x6000, $0x38;
	[tilespmem:$0x18080] =	vst v63  }
0xd0: {  	_ =	swait.ge [sflag:s25], $0x6000  }
0xd1: {  	[sflag:s25] =	ssyncset.done $0x0  }
0xd2: {  	s13 =	rddreg [dreg:$0x5];
	[sflag:s25] =	ssyncadd.s32 $0xFFFFA000  }
0xd3: {  	[hbm4b:s13+s3] =	stream.linear.scatter [tilespmem:s10], [sflag:$0x6], $0x6000, $0x38;
	[tilespmem:$0x18080] =	vst v63  }
0xd4: {  	_ =	swait.ge [sflag:s26], $0x6000  }
0xd5: {  	[sflag:s26] =	ssyncset.done $0x0  }
0xd6: {  	s13 =	rddreg [dreg:$0x6];
	[sflag:s26] =	ssyncadd.s32 $0xFFFFA000  }
0xd7: {  	[hbm4b:s13+s3] =	stream.linear.scatter [tilespmem:s11], [sflag:$0x7], $0x6000, $0x38;
	[tilespmem:$0x18080] =	vst v63  }
0xd8: {  	_ =	swait.ge [sflag:s28], $0x6000  }
0xd9: {  	[sflag:s28] =	ssyncset.done $0x0  }
0xda: {  	s13 =	rddreg [dreg:$0x7];
	[sflag:s28] =	ssyncadd.s32 $0xFFFFA000  }
0xdb: {  	[hbm4b:s13+s3] =	stream.linear.scatter [tilespmem:s12], [sflag:$0x8], $0x6000, $0x38;
	[tilespmem:$0x18080] =	vst v63  }
0xdc: {  	_ =	swait.ge [sflag:s29], $0x6000  }
0xdd: {  	[sflag:s29] =	ssyncset.done $0x0  }
0xde: {  	[sflag:s29] =	ssyncadd.s32 $0xFFFFA000  }
0xdf: {  	_ =	swait.ge [sflag:s30], $0x6000  }
0xe0: {  	[sflag:s30] =	ssyncset.done $0x0  }
0xe1: {  	[sflag:s30] =	ssyncadd.s32 $0xFFFFA000  }
0xe2: {  	p0 =	sne.s32 s7, $0x1;
	_ =	swait.ge [sflag:s31], $0x6000  }
.Ltmp0:
0xe3: {  	[sflag:s31] =	ssyncset.done $0x0;
	(pc) =	sbr.rel @p0 .LBB2_1-.Ltmp0, $4  }
0xe4: {  	[sflag:s31] =	ssyncadd.s32 $0xFFFFA000  }
0xe5: {  	_ =	swait.ge [sflag:s1], $0x6000  }
0xe6: {  	[sflag:s1] =	ssyncset.done $0x0  }
0xe7: {  	s7 =	sadd.s32 $0xFFFFFFFF, s7;
	[sflag:s1] =	ssyncadd.s32 $0xFFFFA000  }
0xe8: {  	_ =	sfence.sel $0x180000  }
0xe9: {  	[bflag:$0x0] =	sbarrier.arrive $0xFFFF  }
0xea: {  	_ =	strace $0x90000047  }
0xeb: {  	s0 =	stileid.u32;
	[bflag:$0x2] =	sbarrier.arrive $0xFFFF  }
0xec: {  	p0 =	sne.s32 s0, $0x0;
	s0 =	rddreg [dreg:$0x3]  }
0xed: {  	s0 =	sadd.s32 @!p0 $0x100000, s0  }
0xee: {  	[sflag:s0] =	ssyncadd.tile.s32 @!p0 $0x1;
	_ =	shalt  }
.Lfunc_end2:
_tile_overlayer_lowered:
.L_overlay_start_2:
0xef: {  	(tag) =	ssettag $0x2  }
0xf0: {  	s0 =	rddreg [dreg:$0x0];
	s2 =	stileid.u32  }
0xf1: {  	s1 =	rddreg [dreg:$0x1];
	p0 =	sne.s32 s2, $0x0  }
0xf2: {  	s3 =	rddreg [dreg:$0x2];
	[bflag:$0x3] =	sbarrier.arrive $0xFFFF;
	s2 =	simm.s32 @!p0 $0x1C09  }
0xf3: {  	[timem:s3], [sflag:s2] =	dma.local @!p0 [hbm:s0], s1  }
0xf4: {  	s0 =	simm.s32 @!p0 $0x9  }
0xf5: {  	_ =	swait.ge @!p0 [sflag:s0], s1  }
0xf6: {  	s1 =	ssub.s32 @!p0 $0x0, s1;
	[sflag:s0] =	ssyncset.done @!p0 $0x0  }
0xf7: {  	[sflag:s0] =	ssyncadd.s32 @!p0 s1  }
0xf8: {  	[bflag:$0x3] =	sbarrier.arrive $0xFFFF  }
0xf9: {  	_ =	shalt  }

// kernel: kernel.9.cloned.1.call-start
scs
__scs_entry_jumppad:
0x0: {  	(pc) =	sbr.rel $0x88, $3  }
0x1: {  	(tag) =	ssettag $0x0;
	lr =	simm.s32 $0x1  }
0x2: {  	[smem:$0x3F9A] =	sst lr;
	_ =	strace $0xD0000000  }
0x3: {  	_ = 	snop  }
0x4: {  	_ = 	snop  }
0x5: {  	_ = 	snop  }
0x6: {  	_ = 	snop  }
0x7: {  	_ = 	snop  }
__scs_overlays_trampoline_lowered:
0x8: {  	[smem:$0x3FA9] =	sst s0  }
0x9: {  	[smem:$0x3FAA] =	sst s1  }
0xa: {  	[smem:$0x3FAB] =	sst s2  }
0xb: {  	[smem:$0x3FAC] =	sst s3  }
0xc: {  	[smem:$0x3FAD] =	sst s4  }
0xd: {  	[smem:$0x3FAE] =	sst s5  }
0xe: {  	[smem:$0x3FAF] =	sst s6  }
0xf: {  	[smem:$0x3FB0] =	sst s7  }
0x10: {  	[smem:$0x3FB1] =	sst s8  }
0x11: {  	[smem:$0x3FB2] =	sst s9;
	s0 =	simm.s32 @!p0 $0x0  }
0x12: {  	s1 =	sld [smem:$0x3F98];
	s0 =	simm.s32 @p0 $0x1  }
0x13: {  	[smem:$0x3FB3] =	sst s0;
	s0 =	simm.s32 @!p1 $0x0  }
0x14: {  	s2 =	sld [smem:$0x3F97];
	s0 =	simm.s32 @p1 $0x1  }
0x15: {  	[smem:$0x3FB4] =	sst s0;
	s0 =	simm.s32 @!p2 $0x0  }
0x16: {  	s3 =	sld [smem:$0x3FDB];
	s0 =	simm.s32 @p2 $0x1  }
0x17: {  	s4 =	simm.s32 $0x1BF5;
	[smem:$0x3FB6] =	sst s0  }
0x18: {  	s0 =	sld [smem:$0x3F99];
	_ =	swait.ge [sflag:s4], $0x0  }
0x19: {  	s7 =	sld [smem:$0x3F9A]  }
0x1a: {  	s8 =	sadd.s32 $0xFFFFE003, lr  }
0x1b: {  	s9 =	sadd.s32 $0xFFFFFEF7, lr;
	s5 =	simm.s32 $0xFFFFFFFF;
	p2 =	slt.u32 s8, $0xFFFFF086  }
0x1c: {  	p1 =	slt.u32 s9, $0xF7A;
	s5 =	simm.s32 @!p2 $0x0  }
0x1d: {  	s5 =	simm.s32 @p1 $0x1;
	p0 =	seq.s32 s7, s2  }
0x1e: {  	s7 =	smul.u32 @!p0 $0xF7A, s2;
	p2 =	seq.s32 @!p0 s5, $0x0  }
0x1f: {  	s9 =	smul.u32 $0xF7A, s1;
	s8 =	simm.s32 @!p0 $0x1BF5;
	p2 =	por !p2, p0  }
0x20: {  	[sflag:s8] =	ssyncset.s32 @!p0 $0xFFFFF086;
	s6 =	sadd.s32 @!p0 s3, s7;
	s7 =	simm.s32 @!p0 $0x108  }
0x21: {  	s3 =	sadd.s32 s3, s9;
	s6 =	sadd.s32 @!p0 $0x88, s6;
	s7 =	simm.s32 @p2 $0x1082  }
0x22: {  	[simem:s7], [sflag:s8] =	dma.local @!p0 [hbm:s6], $0xF7A  }
0x23: {  	s9 =	sor.u32 $0xD0000000, s2;
	s6 =	simm.s32 $0x108;
	_ =	swait.ge @!p0 [sflag:s8], $0x0  }
0x24: {  	s3 =	sadd.s32 $0x88, s3;
	s6 =	simm.s32 @!p1 $0x1082;
	[sflag:s4] =	ssyncset.s32 $0xFFFFF086  }
0x25: {  	[simem:s6], [sflag:s4] =	dma.local [hbm:s3], $0xF7A  }
0x26: {  	[smem:$0x3F9A] =	sst s1;
	(tag) =	ssettag s2;
	_ =	strace s9  }
0x27: {  	s1 =	sld [smem:$0x3FAA]  }
0x28: {  	s2 =	sld [smem:$0x3FAB]  }
0x29: {  	s4 =	sld [smem:$0x3FAD]  }
0x2a: {  	p0 =	seq.s32 s5, $0x0;
	s5 =	sld [smem:$0x3FAE]  }
0x2b: {  	s6 =	sld [smem:$0x3FAF]  }
0x2c: {  	s7 =	sld [smem:$0x3FB0]  }
0x2d: {  	s3 =	simm.s32 $0x108;
	s8 =	sld [smem:$0x3FB1]  }
0x2e: {  	s3 =	simm.s32 @!p0 $0x1082;
	s9 =	sld [smem:$0x3FB2]  }
0x2f: {  	lr =	sadd.s32 s0, s3;
	s0 =	sld [smem:$0x3FA9]  }
0x30: {  	s3 =	sld [smem:$0x3FAC]  }
0x31: {  	[smem:$0x3FB5] =	sst s10  }
0x32: {  	s10 =	sld [smem:$0x3FB3];
	_ =	sdelay $0x3  }
0x33: {  	p0 =	seq.s32 s10, $0x1;
	s10 =	sld [smem:$0x3FB5];
	_ =	sdelay $0x3  }
0x34: {  	[smem:$0x3FB5] =	sst s10  }
0x35: {  	s10 =	sld [smem:$0x3FB4];
	_ =	sdelay $0x3  }
0x36: {  	p1 =	seq.s32 s10, $0x1;
	s10 =	sld [smem:$0x3FB5];
	_ =	sdelay $0x3  }
0x37: {  	[smem:$0x3FB5] =	sst s10  }
0x38: {  	s10 =	sld [smem:$0x3FB6]  }
0x39: {  	_ = 	snop;
	(pc) =	sbr.ind lr, $3  }
0x3a: {  	_ = 	snop  }
0x3b: {  	_ = 	snop  }
0x3c: {  	p2 =	seq.s32 s10, $0x1;
	s10 =	sld [smem:$0x3FB5]  }
0x3d: {  	_ =	shalt  }
0x3e: {  	_ =	shalt  }
0x3f: {  	_ =	shalt  }
0x40: {  	_ =	shalt  }
0x41: {  	_ =	shalt  }
0x42: {  	_ =	shalt  }
0x43: {  	_ =	shalt  }
0x44: {  	_ =	shalt  }
0x45: {  	_ =	shalt  }
0x46: {  	_ =	shalt  }
0x47: {  	_ =	shalt  }
0x48: {  	_ =	shalt  }
0x49: {  	_ =	shalt  }
0x4a: {  	_ =	shalt  }
0x4b: {  	_ =	shalt  }
0x4c: {  	_ =	shalt  }
0x4d: {  	_ =	shalt  }
0x4e: {  	_ =	shalt  }
0x4f: {  	_ =	shalt  }
0x50: {  	_ =	shalt  }
0x51: {  	_ =	shalt  }
0x52: {  	_ =	shalt  }
0x53: {  	_ =	shalt  }
0x54: {  	_ =	shalt  }
0x55: {  	_ =	shalt  }
0x56: {  	_ =	shalt  }
0x57: {  	_ =	shalt  }
0x58: {  	_ =	shalt  }
0x59: {  	_ =	shalt  }
0x5a: {  	_ =	shalt  }
0x5b: {  	_ =	shalt  }
0x5c: {  	_ =	shalt  }
0x5d: {  	_ =	shalt  }
0x5e: {  	_ =	shalt  }
0x5f: {  	_ =	shalt  }
0x60: {  	_ =	shalt  }
0x61: {  	_ =	shalt  }
0x62: {  	_ =	shalt  }
0x63: {  	_ =	shalt  }
0x64: {  	_ =	shalt  }
0x65: {  	_ =	shalt  }
0x66: {  	_ =	shalt  }
0x67: {  	_ =	shalt  }
0x68: {  	_ =	shalt  }
0x69: {  	_ =	shalt  }
0x6a: {  	_ =	shalt  }
0x6b: {  	_ =	shalt  }
0x6c: {  	_ =	shalt  }
0x6d: {  	_ =	shalt  }
0x6e: {  	_ =	shalt  }
0x6f: {  	_ =	shalt  }
0x70: {  	_ =	shalt  }
0x71: {  	_ =	shalt  }
0x72: {  	_ =	shalt  }
0x73: {  	_ =	shalt  }
0x74: {  	_ =	shalt  }
0x75: {  	_ =	shalt  }
0x76: {  	_ =	shalt  }
0x77: {  	_ =	shalt  }
0x78: {  	_ =	shalt  }
0x79: {  	_ =	shalt  }
0x7a: {  	_ =	shalt  }
0x7b: {  	_ =	shalt  }
0x7c: {  	_ =	shalt  }
0x7d: {  	_ =	shalt  }
0x7e: {  	_ =	shalt  }
0x7f: {  	_ =	shalt  }
0x80: {  	_ =	shalt  }
0x81: {  	_ =	shalt  }
0x82: {  	_ =	shalt  }
0x83: {  	_ =	shalt  }
0x84: {  	_ =	shalt  }
0x85: {  	_ =	shalt  }
0x86: {  	_ =	shalt  }
0x87: {  	_ =	shalt  }
.Lfunc_end0:
.L_simem_size_0:
called_computation.1_lowered:
.L_overlay_start_0:
0x88: {  	s2 =	sld [smem:$0x3FD9]  }
0x89: {  	s3 =	sld [smem:$0x3FFE];
	_ =	sdelay $0x1  }
0x8a: {  	s1 =	srdreg.scid  }
0x8b: {  	s0 =	sand.u32 $0x1, s1  }
0x8c: {  	s17 =	sshll.u32 s0, $0xA;
	s2 =	sadd.s32 s3, s2  }
0x8d: {  	s2 =	sadd.s32 s2, s17  }
0x8e: {  	[smem:$0x3FC1] =	sst s2  }
0x8f: {  	_ = 	snop  }
0x90: {  	s18 =	sld [smem:$0x3FC7];
	(tm) =	ssettm $0x1  }
0x91: {  	s19 =	sld [smem:$0x3FFB];
	_ =	sdelay $0x3  }
0x92: {  	_ =	strace s19  }
0x93: {  	s2 =	sld [smem:$0x3FFC];
	_ =	sdelay $0x3  }
0x94: {  	_ =	strace s2  }
0x95: {  	s2 =	sld [smem:$0x3FFD];
	_ =	sdelay $0x3  }
0x96: {  	_ =	strace s2  }
0x97: {  	_ =	strace $0x8FFFFFFF  }
0x98: {  	s20 =	sld [smem:$0x3FDB];
	_ =	sdelay $0x1  }
0x99: {  	s4 =	simm.s32 $_scs_section_size  }
0x9a: {  	s5 =	simm.s32 $_size__tile_overlayer_lowered;
	s6 =	simm.s32 $_tile_overlayer_lowered  }
0x9b: {  	s7 =	simm.s32 $0x1BFF;
	s21 =	sshll.u32 s6, $0x1;
	s4 =	sadd.s32 s4, s20  }
0x9c: {  	s22 =	simm.s32 $0x0;
	s5 =	sshll.u32 s5, $0x1;
	s6 =	sadd.s32 s21, s4  }
0x9d: {  	[timem:s22], [sflag:s7] =	dma.local [hbm:s6], s5  }
0x9e: {  	_ =	swait.ge [sflag:s7], s5  }
0x9f: {  	s5 =	ssub.s32 $0x0, s5;
	[sflag:s7] =	ssyncset.done $0x0  }
0xa0: {  	[sflag:s7] =	ssyncadd.s32 s5;
	_ =	sdelay $0x1  }
0xa1: {  	s23 =	simm.s32 $0x1B8B  }
0xa2: {  	_ =	swait.ge [sflag:s23], $0x1  }
0xa3: {  	[sflag:s23] =	ssyncset.done $0x0  }
0xa4: {  	[sflag:s23] =	ssyncadd.s32 $0xFFFFFFFF  }
0xa5: {  	s5 =	sld [smem:$0x0]  }
0xa6: {  	s6 =	sand.u32 $0xFFFFFFFE, s1  }
0xa7: {  	p0 =	sne.s32 s1, s6  }
0xa8: {  	s6 =	sshll.u32 @p0 s6, $0xE  }
0xa9: {  	s6 =	sadd.s32 @p0 $0x11B8D, s6;
	s7 =	sshll.u32 @p0 s5, $0x11  }
0xaa: {  	s6 =	sor.u32 @p0 s7, s6  }
0xab: {  	[sflag:s6] =	ssyncadd.remote.s32 @p0 $0x1;
	_ =	sdelay $0x1  }
0xac: {  	s6 =	simm.s32 @p0 $0x1B8D  }
0xad: {  	_ =	swait.eq @p0 [sflag:s6], $0x1  }
0xae: {  	[sflag:s6] =	ssyncadd.s32 @p0 $0xFFFFFFFF  }
0xaf: {  	s7 =	sshll.u32 @!p0 s1, $0xE  }
0xb0: {  	s7 =	sor.u32 @!p0 $0x4000, s7;
	s6 =	simm.s32 @!p0 $0x1B8D  }
0xb1: {  	s5 =	sshll.u32 @!p0 s5, $0x11;
	s7 =	sadd.s32 @!p0 $0x11B8D, s7;
	_ =	swait.eq @!p0 [sflag:s6], $0x1  }
0xb2: {  	s5 =	sor.u32 @!p0 s5, s7;
	[sflag:s6] =	ssyncadd.s32 @!p0 $0xFFFFFFFF  }
0xb3: {  	s25 =	simm.s32 $0x1B8E;
	s24 =	sld [smem:$0x3FFE];
	[sflag:s5] =	ssyncadd.remote.s32 @!p0 $0x1  }
0xb4: {  	s26 =	simm.s32 $execute0_lowered;
	[smem:$0x3FD2] =	sst s25  }
0xb5: {  	s6 =	sshll.u32 s26, $0x1;
	_ =	strace $0x80000049;
	[dreg:$0x1] =	wrdreg $0xFFFFFFFF  }
0xb6: {  	s28 =	simm.s32 $_size_execute0_lowered;
	s4 =	sadd.s32 s4, s6;
	[dreg:$0x0] =	wrdreg $0x0  }
0xb7: {  	s6 =	sshll.u32 s28, $0x1;
	[dreg:$0x2] =	wrdreg s4  }
0xb8: {  	[dreg:$0x3] =	wrdreg s6  }
0xb9: {  	[dreg:$0x4] =	wrdreg $0xC0  }
0xba: {  	_ =	task [dreg:s22], $0x5FFFF  }
0xbb: {  	[dreg:$0x1] =	wrdreg $0xFFFFFFFF  }
0xbc: {  	[dreg:$0x0] =	wrdreg $0x60  }
0xbd: {  	[dreg:$0x2] =	wrdreg s24  }
0xbe: {  	[dreg:$0x3] =	wrdreg s18  }
0xbf: {  	[dreg:$0x4] =	wrdreg $0xA  }
0xc0: {  	_ =	task.clear_ibuf [dreg:s22], $0x5FFFF;
	_ =	strace $0x90000049  }
0xc1: {  	s29 =	simm.s32 $0xA;
	_ =	strace $0x8000004B  }
0xc2: {  	_ =	swait.ge [sflag:s29], $0x1  }
0xc3: {  	[sflag:s29] =	ssyncadd.s32 $0xFFFFFFFF  }
0xc4: {  	_ =	strace $0x9000004B  }
0xc5: {  	_ =	sfence  }
0xc6: {  	s30 =	sld [smem:$0x0];
	_ =	sdelay $0x2  }
0xc7: {  	s31 =	sshll.u32 s1, $0xD;
	s1 =	sshrl.u32 s1, $0x2  }
0xc8: {  	s4 =	sand.u32 $0x4000, s31;
	s1 =	sadd.s32 s1, s30  }
0xc9: {  	s0 =	sor.u32 s4, s0;
	s1 =	sshll.u32 s1, $0x11  }
0xca: {  	s0 =	sor.u32 s1, s0  }
0xcb: {  	s0 =	sadd.s32 $0x8F2B, s0  }
0xcc: {  	[sflag:s0] =	ssyncadd.remote.s32 $0x1  }
0xcd: {  	_ =	sfence.sel $0xFFFF  }
0xce: {  	[dreg:$0x0] =	wrdreg $0xFFFFFFFF;
	(pc) =	sbr.abs _section_cstart, $3  }
0xcf: {  	[dreg:$0x1] =	wrdreg $0xFFFFFFFF  }
0xd0: {  	_ =	task.clear_ibuf [dreg:s22], $0x2FFFF;
	_ =	strace $0x9FFFFFFF  }
0xd1: {  	(tm) =	ssettm $0x7FFFFFFF  }
tec
execute0_lowered:
.L_overlay_start_1:
0x0: {  	(tag) =	ssettag $0x1  }
0x1: {  	s1 =	srdreg.scid  }
0x2: {  	s0 =	stileid.u32;
	s1 =	sand.u32 $0x1, s1  }
0x3: {  	s4 =	rddreg [dreg:$0x0];
	s3 =	sshll.u32 s0, $0x5;
	s5 =	sshll.u32 s1, $0x4  }
0x4: {  	s2 =	rddreg [dreg:$0x1];
	s5 =	sor.u32 s5, s3;
	s3 =	simm.s32 $0x0  }
0x5: {  	s15 =	simm.s32 $0x880;
	[smem:$0x7FF] =	sst s3  }
0x6: {  	s16 =	simm.s32 $0x1080;
	_ =	strace $0x8000004A;
	[dreg:$0x7] =	wrdreg s15  }
0x7: {  	s17 =	simm.s32 $0x1880;
	[dreg:$0x8] =	wrdreg s16  }
0x8: {  	s18 =	simm.s32 $0x2080;
	[dreg:$0x9] =	wrdreg s17  }
0x9: {  	s19 =	simm.s32 $0x2880;
	[dreg:$0xa] =	wrdreg s18  }
0xa: {  	s20 =	simm.s32 $0x3080;
	[dreg:$0xb] =	wrdreg s19  }
0xb: {  	s21 =	simm.s32 $0x3880;
	[dreg:$0xc] =	wrdreg s20  }
0xc: {  	s22 =	simm.s32 $0x4080;
	[dreg:$0xd] =	wrdreg s21  }
0xd: {  	s23 =	simm.s32 $0x4880;
	[dreg:$0xe] =	wrdreg s22  }
0xe: {  	s24 =	simm.s32 $0x5080;
	[dreg:$0xf] =	wrdreg s23  }
0xf: {  	s25 =	simm.s32 $0x5880;
	[dreg:$0x10] =	wrdreg s24  }
0x10: {  	s26 =	simm.s32 $0x6880;
	[dreg:$0x11] =	wrdreg s25  }
0x11: {  	s9 =	simm.s32 $0x9080;
	s0 =	simm.s32 $0x7080;
	[dreg:$0x12] =	wrdreg s26  }
0x12: {  	s10 =	simm.s32 $0x9880;
	s6 =	smul.u32 $0x300, s5;
	[dreg:$0x13] =	wrdreg s0  }
0x13: {  	s7 =	smul.u32 $0x1800, s5;
	s5 =	sadd.s32 s5, s4;
	[dreg:$0x17] =	wrdreg s9  }
0x14: {  	s28 =	simm.s32 $0x4;
	s5 =	sadd.s32 $0x1600, s5;
	[dreg:$0x18] =	wrdreg s10  }
0x15: {  	s29 =	simm.s32 $0x5;
	s15 =	simm.s32 $0xC880;
	[dreg:$0x3] =	wrdreg s5  }
0x16: {  	s30 =	simm.s32 $0x6;
	s16 =	simm.s32 $0xD080;
	[dreg:$0x1d] =	wrdreg s15  }
0x17: {  	s31 =	simm.s32 $0x7;
	s18 =	simm.s32 $0xD880;
	[dreg:$0x1e] =	wrdreg s16  }
0x18: {  	s8 =	sadd.s32 $0x61800, s4;
	s19 =	simm.s32 $0xE080;
	[dreg:$0x1f] =	wrdreg s18  }
0x19: {  	s1 =	ssub.s32 $0x2, s1;
	s20 =	simm.s32 $0xE880;
	[smem:$0x7F6] =	sst s19  }
0x1a: {  	s17 =	sshrl.u32 s1, $0x1;
	s21 =	simm.s32 $0xF080;
	[smem:$0x7F7] =	sst s20  }
0x1b: {  	s22 =	simm.s32 $0xF880;
	s23 =	simm.s32 $0x10080;
	[smem:$0x7F8] =	sst s21  }
0x1c: {  	s9 =	simm.s32 $0x80;
	s24 =	simm.s32 $0x10880;
	[smem:$0x7F9] =	sst s22  }
0x1d: {  	s10 =	simm.s32 $0x6080;
	s25 =	simm.s32 $0x11080;
	[smem:$0x7FA] =	sst s23  }
0x1e: {  	s26 =	simm.s32 $0x11880;
	s4 =	sadd.s32 s8, s6;
	[smem:$0x7FB] =	sst s24  }
0x1f: {  	s11 =	sshrl.u32 s7, $0x3;
	s7 =	simm.s32 $0x8080;
	[smem:$0x7FC] =	sst s25  }
0x20: {  	s1 =	ssub.s32 s1, s17;
	s5 =	sadd.s32 $0x100, s2;
	[smem:$0x7FD] =	sst s26  }
0x21: {  	s15 =	simm.s32 $0x13880;
	s16 =	simm.s32 $0x14080;
	s17 =	simm.s32 $0x14880  }
0x22: {  	s18 =	simm.s32 $0x15080;
	s19 =	simm.s32 $0x15880;
	s20 =	simm.s32 $0x16080  }
0x23: {  	s21 =	simm.s32 $0x16880;
	s22 =	simm.s32 $0x17080;
	s23 =	simm.s32 $0x17880  }
0x24: {  	s24 =	simm.s32 $0x1;
	s12 =	sadd.s32 $0xC00, s4;
	[dreg:$0x15] =	wrdreg s7  }
0x25: {  	s6 =	sadd.s32 s8, s11;
	s8 =	simm.s32 $0x8880;
	[dreg:$0x4] =	wrdreg s12  }
0x26: {  	s25 =	simm.s32 $0x2;
	s11 =	simm.s32 $0xA080;
	[dreg:$0x16] =	wrdreg s8  }
0x27: {  	s26 =	simm.s32 $0x3;
	s13 =	sadd.s32 $0x1800, s6;
	[dreg:$0x19] =	wrdreg s11  }
0x28: {  	s7 =	smax.u32 s1, $0x1;
	s14 =	sadd.s32 $0x2400, s6;
	[dreg:$0x5] =	wrdreg s13  }
0x29: {  	s1 =	simm.s32 $0x8;
	s6 =	simm.s32 $0x7880;
	[dreg:$0x6] =	wrdreg s14  }
0x2a: {  	s12 =	simm.s32 $0xA880;
	s8 =	simm.s32 $0x9;
	[dreg:$0x14] =	wrdreg s6  }
0x2b: {  	v2 =	vlaneseq.u32;
	s11 =	simm.s32 $0xC080;
	[dreg:$0x1a] =	wrdreg s12;
	s13 =	simm.s32 $0xB080  }
0x2c: {  	vm0 =	vmmov $0xffff;
	v1 =	vshrl.u32 v2, $0x3;
	s14 =	simm.s32 $0xB880;
	s6 =	sadd.s32 $0x200, s2;
	[dreg:$0x1b] =	wrdreg s13  }
0x2d: {  	v0 =	vand.u32 $0x7, v2;
	v2 =	vor.u32 $0x8, v2;
	v1 =	vmul.u32 $0x8, v1;
	s12 =	simm.s32 $0x12080;
	[dreg:$0x1c] =	wrdreg s14;
	s14 =	simm.s32 $0x13080  }
.LBB2_1:
0x2e: {  	s0 =	rddreg [dreg:$0x3]  }
0x2f: {  	[tilespmem:s3], [sflag:$0x9] =	stream.linear.gather [hbm4b:s0+s3], $0x80, $0x38;
	[tilespmem:$0x18080] =	vst v63  }
0x30: {  	_ =	swait.ge [sflag:s8], $0x80  }
0x31: {  	[sflag:s8] =	ssyncset.done $0x0  }
0x32: {  	[sflag:s8] =	ssyncadd.s32 $0xFFFFFF80  }
0x33: {  	v3 =	vld [tilespmem:$0x0];
	_ =	sdelay $0x4  }
0x34: {  	v4 =	vshrl.u32 v3, $0x3  }
0x35: {  	v4 =	vmul.u32 $0x30, v4  }
0x36: {  	v3 =	vand.u32 $0x7, v3  }
0x37: {  	v3 =	vor.u32 v3, v4  }
0x38: {  	v4 =	vperm.xlane v3, v0;
	_ =	sdelay $0x1  }
0x39: {  	v4 =	vadd.s32 v1, v4;
	_ =	sdelay $0x3  }
0x3a: {  	v3 =	vperm.xlane v3, v2  }
0x3b: {  	[tilespmem:s9], [sflag:$0x1] =	stream.indirect_vreg.gather [hbm4b:s2+s3], $0x80, v4, vm0, $0xb8;
	[tilespmem:$0x18080] =	vst v63  }
0x3c: {  	s0 =	rddreg [dreg:$0x7];
	v3 =	vadd.s32 v1, v3  }
0x3d: {  	[tilespmem:s0], [sflag:$0x1] =	stream.indirect_vreg.gather [hbm4b:s5+s3], $0x80, v4, vm0, $0xb8;
	[tilespmem:$0x18080] =	vst v63  }
0x3e: {  	s13 =	rddreg [dreg:$0x8]  }
0x3f: {  	[tilespmem:s13], [sflag:$0x1] =	stream.indirect_vreg.gather [hbm4b:s6+s3], $0x80, v4, vm0, $0xb8;
	[tilespmem:$0x18080] =	vst v63  }
0x40: {  	s0 =	rddreg [dreg:$0x9]  }
0x41: {  	[tilespmem:s0], [sflag:$0x1] =	stream.indirect_vreg.gather [hbm4b:s2+s3], $0x80, v3, vm0, $0xb8;
	[tilespmem:$0x18080] =	vst v63  }
0x42: {  	s13 =	rddreg [dreg:$0xa]  }
0x43: {  	[tilespmem:s13], [sflag:$0x1] =	stream.indirect_vreg.gather [hbm4b:s5+s3], $0x80, v3, vm0, $0xb8;
	[tilespmem:$0x18080] =	vst v63  }
0x44: {  	s0 =	rddreg [dreg:$0xb]  }
0x45: {  	[tilespmem:s0], [sflag:$0x1] =	stream.indirect_vreg.gather [hbm4b:s6+s3], $0x80, v3, vm0, $0xb8;
	[tilespmem:$0x18080] =	vst v63  }
0x46: {  	v3 =	vld [tilespmem:$0x10];
	_ =	sdelay $0x4  }
0x47: {  	v57 =	vshrl.u32 v3, $0x3  }
0x48: {  	v4 =	vmul.u32 $0x30, v57  }
0x49: {  	v3 =	vand.u32 $0x7, v3  }
0x4a: {  	v3 =	vor.u32 v3, v4  }
0x4b: {  	v4 =	vperm.xlane v3, v0;
	_ =	sdelay $0x1  }
0x4c: {  	v4 =	vadd.s32 v1, v4;
	_ =	sdelay $0x3  }
0x4d: {  	s0 =	rddreg [dreg:$0xc];
	v3 =	vperm.xlane v3, v2  }
0x4e: {  	[tilespmem:s0], [sflag:$0x1] =	stream.indirect_vreg.gather [hbm4b:s2+s3], $0x80, v4, vm0, $0xb8;
	[tilespmem:$0x18080] =	vst v63  }
0x4f: {  	s13 =	rddreg [dreg:$0xd];
	v3 =	vadd.s32 v1, v3  }
0x50: {  	[tilespmem:s13], [sflag:$0x1] =	stream.indirect_vreg.gather [hbm4b:s5+s3], $0x80, v4, vm0, $0xb8;
	[tilespmem:$0x18080] =	vst v63  }
0x51: {  	s0 =	rddreg [dreg:$0xe]  }
0x52: {  	[tilespmem:s0], [sflag:$0x1] =	stream.indirect_vreg.gather [hbm4b:s6+s3], $0x80, v4, vm0, $0xb8;
	[tilespmem:$0x18080] =	vst v63  }
0x53: {  	s13 =	rddreg [dreg:$0xf]  }
0x54: {  	[tilespmem:s13], [sflag:$0x1] =	stream.indirect_vreg.gather [hbm4b:s2+s3], $0x80, v3, vm0, $0xb8;
	[tilespmem:$0x18080] =	vst v63  }
0x55: {  	s0 =	rddreg [dreg:$0x10]  }
0x56: {  	[tilespmem:s0], [sflag:$0x1] =	stream.indirect_vreg.gather [hbm4b:s5+s3], $0x80, v3, vm0, $0xb8;
	[tilespmem:$0x18080] =	vst v63  }
0x57: {  	s13 =	rddreg [dreg:$0x11]  }
0x58: {  	[tilespmem:s13], [sflag:$0x1] =	stream.indirect_vreg.gather [hbm4b:s6+s3], $0x80, v3, vm0, $0xb8;
	[tilespmem:$0x18080] =	vst v63  }
0x59: {  	v3 =	vld [tilespmem:$0x20];
	_ =	sdelay $0x4  }
0x5a: {  	v58 =	vshrl.u32 v3, $0x3  }
0x5b: {  	v4 =	vmul.u32 $0x30, v58  }
0x5c: {  	v3 =	vand.u32 $0x7, v3  }
0x5d: {  	v3 =	vor.u32 v3, v4  }
0x5e: {  	v4 =	vperm.xlane v3, v0;
	_ =	sdelay $0x1  }
0x5f: {  	v4 =	vadd.s32 v1, v4;
	_ =	sdelay $0x3  }
0x60: {  	v3 =	vperm.xlane v3, v2  }
0x61: {  	[tilespmem:s10], [sflag:$0x2] =	stream.indirect_vreg.gather [hbm4b:s2+s3], $0x80, v4, vm0, $0xb8;
	[tilespmem:$0x18080] =	vst v63  }
0x62: {  	s0 =	rddreg [dreg:$0x12];
	v3 =	vadd.s32 v1, v3  }
0x63: {  	[tilespmem:s0], [sflag:$0x2] =	stream.indirect_vreg.gather [hbm4b:s5+s3], $0x80, v4, vm0, $0xb8;
	[tilespmem:$0x18080] =	vst v63  }
0x64: {  	s13 =	rddreg [dreg:$0x13]  }
0x65: {  	[tilespmem:s13], [sflag:$0x2] =	stream.indirect_vreg.gather [hbm4b:s6+s3], $0x80, v4, vm0, $0xb8;
	[tilespmem:$0x18080] =	vst v63  }
0x66: {  	s0 =	rddreg [dreg:$0x14]  }
0x67: {  	[tilespmem:s0], [sflag:$0x2] =	stream.indirect_vreg.gather [hbm4b:s2+s3], $0x80, v3, vm0, $0xb8;
	[tilespmem:$0x18080] =	vst v63  }
0x68: {  	s13 =	rddreg [dreg:$0x15]  }
0x69: {  	[tilespmem:s13], [sflag:$0x2] =	stream.indirect_vreg.gather [hbm4b:s5+s3], $0x80, v3, vm0, $0xb8;
	[tilespmem:$0x18080] =	vst v63  }
0x6a: {  	s0 =	rddreg [dreg:$0x16]  }
0x6b: {  	[tilespmem:s0], [sflag:$0x2] =	stream.indirect_vreg.gather [hbm4b:s6+s3], $0x80, v3, vm0, $0xb8;
	[tilespmem:$0x18080] =	vst v63  }
0x6c: {  	v3 =	vld [tilespmem:$0x30];
	_ =	sdelay $0x4  }
0x6d: {  	v59 =	vshrl.u32 v3, $0x3  }
0x6e: {  	v4 =	vmul.u32 $0x30, v59  }
0x6f: {  	v3 =	vand.u32 $0x7, v3  }
0x70: {  	v3 =	vor.u32 v3, v4  }
0x71: {  	v4 =	vperm.xlane v3, v0;
	_ =	sdelay $0x1  }
0x72: {  	v4 =	vadd.s32 v1, v4;
	_ =	sdelay $0x3  }
0x73: {  	s0 =	rddreg [dreg:$0x17];
	v3 =	vperm.xlane v3, v2  }
0x74: {  	[tilespmem:s0], [sflag:$0x2] =	stream.indirect_vreg.gather [hbm4b:s2+s3], $0x80, v4, vm0, $0xb8;
	[tilespmem:$0x18080] =	vst v63  }
0x75: {  	s13 =	rddreg [dreg:$0x18];
	v3 =	vadd.s32 v1, v3  }
0x76: {  	[tilespmem:s13], [sflag:$0x2] =	stream.indirect_vreg.gather [hbm4b:s5+s3], $0x80, v4, vm0, $0xb8;
	[tilespmem:$0x18080] =	vst v63  }
0x77: {  	s0 =	rddreg [dreg:$0x19]  }
0x78: {  	[tilespmem:s0], [sflag:$0x2] =	stream.indirect_vreg.gather [hbm4b:s6+s3], $0x80, v4, vm0, $0xb8;
	[tilespmem:$0x18080] =	vst v63  }
0x79: {  	s13 =	rddreg [dreg:$0x1a]  }
0x7a: {  	[tilespmem:s13], [sflag:$0x2] =	stream.indirect_vreg.gather [hbm4b:s2+s3], $0x80, v3, vm0, $0xb8;
	[tilespmem:$0x18080] =	vst v63  }
0x7b: {  	s0 =	rddreg [dreg:$0x1b]  }
0x7c: {  	[tilespmem:s0], [sflag:$0x2] =	stream.indirect_vreg.gather [hbm4b:s5+s3], $0x80, v3, vm0, $0xb8;
	[tilespmem:$0x18080] =	vst v63  }
0x7d: {  	s13 =	rddreg [dreg:$0x1c]  }
0x7e: {  	[tilespmem:s13], [sflag:$0x2] =	stream.indirect_vreg.gather [hbm4b:s6+s3], $0x80, v3, vm0, $0xb8;
	[tilespmem:$0x18080] =	vst v63  }
0x7f: {  	v3 =	vld [tilespmem:$0x40];
	_ =	sdelay $0x4  }
0x80: {  	v60 =	vshrl.u32 v3, $0x3  }
0x81: {  	v4 =	vmul.u32 $0x30, v60  }
0x82: {  	v3 =	vand.u32 $0x7, v3  }
0x83: {  	v3 =	vor.u32 v3, v4  }
0x84: {  	v4 =	vperm.xlane v3, v0;
	_ =	sdelay $0x1  }
0x85: {  	v4 =	vadd.s32 v1, v4;
	_ =	sdelay $0x3  }
0x86: {  	s0 =	rddreg [dreg:$0x1d];
	v3 =	vperm.xlane v3, v2  }
0x87: {  	[tilespmem:s11], [sflag:$0x3] =	stream.indirect_vreg.gather [hbm4b:s2+s3], $0x80, v4, vm0, $0xb8;
	[tilespmem:$0x18080] =	vst v63  }
0x88: {  	s13 =	rddreg [dreg:$0x1e];
	v3 =	vadd.s32 v1, v3  }
0x89: {  	[tilespmem:s0], [sflag:$0x3] =	stream.indirect_vreg.gather [hbm4b:s5+s3], $0x80, v4, vm0, $0xb8;
	[tilespmem:$0x18080] =	vst v63  }
0x8a: {  	s0 =	rddreg [dreg:$0x1f]  }
0x8b: {  	[tilespmem:s13], [sflag:$0x3] =	stream.indirect_vreg.gather [hbm4b:s6+s3], $0x80, v4, vm0, $0xb8;
	[tilespmem:$0x18080] =	vst v63  }
0x8c: {  	s13 =	sld [smem:$0x7F6]  }
0x8d: {  	[tilespmem:s0], [sflag:$0x3] =	stream.indirect_vreg.gather [hbm4b:s2+s3], $0x80, v3, vm0, $0xb8;
	[tilespmem:$0x18080] =	vst v63  }
0x8e: {  	s0 =	sld [smem:$0x7F7]  }
0x8f: {  	[tilespmem:s13], [sflag:$0x3] =	stream.indirect_vreg.gather [hbm4b:s5+s3], $0x80, v3, vm0, $0xb8;
	[tilespmem:$0x18080] =	vst v63  }
0x90: {  	_ = 	snop  }
0x91: {  	[tilespmem:s0], [sflag:$0x3] =	stream.indirect_vreg.gather [hbm4b:s6+s3], $0x80, v3, vm0, $0xb8;
	[tilespmem:$0x18080] =	vst v63  }
0x92: {  	v3 =	vld [tilespmem:$0x50];
	_ =	sdelay $0x4  }
0x93: {  	v61 =	vshrl.u32 v3, $0x3  }
0x94: {  	v4 =	vmul.u32 $0x30, v61  }
0x95: {  	v3 =	vand.u32 $0x7, v3  }
0x96: {  	v3 =	vor.u32 v3, v4  }
0x97: {  	v4 =	vperm.xlane v3, v0;
	_ =	sdelay $0x1  }
0x98: {  	v4 =	vadd.s32 v1, v4;
	_ =	sdelay $0x1  }
0x99: {  	s0 =	sld [smem:$0x7F8];
	_ =	sdelay $0x1  }
0x9a: {  	s13 =	sld [smem:$0x7F9];
	v3 =	vperm.xlane v3, v2  }
0x9b: {  	[tilespmem:s0], [sflag:$0x3] =	stream.indirect_vreg.gather [hbm4b:s2+s3], $0x80, v4, vm0, $0xb8;
	[tilespmem:$0x18080] =	vst v63  }
0x9c: {  	v3 =	vadd.s32 v1, v3;
	s0 =	sld [smem:$0x7FA]  }
0x9d: {  	[tilespmem:s13], [sflag:$0x3] =	stream.indirect_vreg.gather [hbm4b:s5+s3], $0x80, v4, vm0, $0xb8;
	[tilespmem:$0x18080] =	vst v63  }
0x9e: {  	s13 =	sld [smem:$0x7FB]  }
0x9f: {  	[tilespmem:s0], [sflag:$0x3] =	stream.indirect_vreg.gather [hbm4b:s6+s3], $0x80, v4, vm0, $0xb8;
	[tilespmem:$0x18080] =	vst v63  }
0xa0: {  	s0 =	sld [smem:$0x7FC]  }
0xa1: {  	[tilespmem:s13], [sflag:$0x3] =	stream.indirect_vreg.gather [hbm4b:s2+s3], $0x80, v3, vm0, $0xb8;
	[tilespmem:$0x18080] =	vst v63  }
0xa2: {  	s13 =	sld [smem:$0x7FD]  }
0xa3: {  	[tilespmem:s0], [sflag:$0x3] =	stream.indirect_vreg.gather [hbm4b:s5+s3], $0x80, v3, vm0, $0xb8;
	[tilespmem:$0x18080] =	vst v63  }
0xa4: {  	_ = 	snop  }
0xa5: {  	[tilespmem:s13], [sflag:$0x3] =	stream.indirect_vreg.gather [hbm4b:s6+s3], $0x80, v3, vm0, $0xb8;
	[tilespmem:$0x18080] =	vst v63  }
0xa6: {  	v3 =	vld [tilespmem:$0x60];
	_ =	sdelay $0x4  }
0xa7: {  	v62 =	vshrl.u32 v3, $0x3  }
0xa8: {  	v4 =	vmul.u32 $0x30, v62  }
0xa9: {  	v3 =	vand.u32 $0x7, v3  }
0xaa: {  	v3 =	vor.u32 v3, v4  }
0xab: {  	v4 =	vperm.xlane v3, v0;
	_ =	sdelay $0x1  }
0xac: {  	v4 =	vadd.s32 v1, v4;
	_ =	sdelay $0x3  }
0xad: {  	v3 =	vperm.xlane v3, v2  }
0xae: {  	[tilespmem:s12], [sflag:$0x4] =	stream.indirect_vreg.gather [hbm4b:s2+s3], $0x80, v4, vm0, $0xb8;
	[tilespmem:$0x18080] =	vst v63  }
0xaf: {  	s13 =	simm.s32 $0x12880;
	v3 =	vadd.s32 v1, v3  }
0xb0: {  	[tilespmem:s13], [sflag:$0x4] =	stream.indirect_vreg.gather [hbm4b:s5+s3], $0x80, v4, vm0, $0xb8;
	[tilespmem:$0x18080] =	vst v63  }
0xb1: {  	_ = 	snop  }
0xb2: {  	[tilespmem:s14], [sflag:$0x4] =	stream.indirect_vreg.gather [hbm4b:s6+s3], $0x80, v4, vm0, $0xb8;
	[tilespmem:$0x18080] =	vst v63  }
0xb3: {  	_ = 	snop  }
0xb4: {  	[tilespmem:s15], [sflag:$0x4] =	stream.indirect_vreg.gather [hbm4b:s2+s3], $0x80, v3, vm0, $0xb8;
	[tilespmem:$0x18080] =	vst v63  }
0xb5: {  	_ = 	snop  }
0xb6: {  	[tilespmem:s16], [sflag:$0x4] =	stream.indirect_vreg.gather [hbm4b:s5+s3], $0x80, v3, vm0, $0xb8;
	[tilespmem:$0x18080] =	vst v63  }
0xb7: {  	_ = 	snop  }
0xb8: {  	[tilespmem:s17], [sflag:$0x4] =	stream.indirect_vreg.gather [hbm4b:s6+s3], $0x80, v3, vm0, $0xb8;
	[tilespmem:$0x18080] =	vst v63  }
0xb9: {  	v3 =	vld [tilespmem:$0x70];
	_ =	sdelay $0x4  }
0xba: {  	v63 =	vshrl.u32 v3, $0x3  }
0xbb: {  	v4 =	vmul.u32 $0x30, v63  }
0xbc: {  	v3 =	vand.u32 $0x7, v3  }
0xbd: {  	v3 =	vor.u32 v3, v4  }
0xbe: {  	v4 =	vperm.xlane v3, v0;
	_ =	sdelay $0x1  }
0xbf: {  	v4 =	vadd.s32 v1, v4;
	_ =	sdelay $0x3  }
0xc0: {  	v3 =	vperm.xlane v3, v2  }
0xc1: {  	[tilespmem:s18], [sflag:$0x4] =	stream.indirect_vreg.gather [hbm4b:s2+s3], $0x80, v4, vm0, $0xb8;
	[tilespmem:$0x18080] =	vst v63  }
0xc2: {  	v3 =	vadd.s32 v1, v3  }
0xc3: {  	[tilespmem:s19], [sflag:$0x4] =	stream.indirect_vreg.gather [hbm4b:s5+s3], $0x80, v4, vm0, $0xb8;
	[tilespmem:$0x18080] =	vst v63  }
0xc4: {  	_ = 	snop  }
0xc5: {  	[tilespmem:s20], [sflag:$0x4] =	stream.indirect_vreg.gather [hbm4b:s6+s3], $0x80, v4, vm0, $0xb8;
	[tilespmem:$0x18080] =	vst v63  }
0xc6: {  	_ = 	snop  }
0xc7: {  	[tilespmem:s21], [sflag:$0x4] =	stream.indirect_vreg.gather [hbm4b:s2+s3], $0x80, v3, vm0, $0xb8;
	[tilespmem:$0x18080] =	vst v63  }
0xc8: {  	_ = 	snop  }
0xc9: {  	[tilespmem:s22], [sflag:$0x4] =	stream.indirect_vreg.gather [hbm4b:s5+s3], $0x80, v3, vm0, $0xb8;
	[tilespmem:$0x18080] =	vst v63  }
0xca: {  	_ = 	snop  }
0xcb: {  	[tilespmem:s23], [sflag:$0x4] =	stream.indirect_vreg.gather [hbm4b:s6+s3], $0x80, v3, vm0, $0xb8;
	[tilespmem:$0x18080] =	vst v63  }
0xcc: {  	_ =	swait.ge [sflag:s24], $0x6000  }
0xcd: {  	[sflag:s24] =	ssyncset.done $0x0  }
0xce: {  	[sflag:s24] =	ssyncadd.s32 $0xFFFFA000  }
0xcf: {  	[hbm4b:s4+s3] =	stream.linear.scatter [tilespmem:s9], [sflag:$0x5], $0x6000, $0x38;
	[tilespmem:$0x18080] =	vst v63  }
0xd0: {  	_ =	swait.ge [sflag:s25], $0x6000  }
0xd1: {  	[sflag:s25] =	ssyncset.done $0x0  }
0xd2: {  	s13 =	rddreg [dreg:$0x4];
	[sflag:s25] =	ssyncadd.s32 $0xFFFFA000  }
0xd3: {  	[hbm4b:s13+s3] =	stream.linear.scatter [tilespmem:s10], [sflag:$0x6], $0x6000, $0x38;
	[tilespmem:$0x18080] =	vst v63  }
0xd4: {  	_ =	swait.ge [sflag:s26], $0x6000  }
0xd5: {  	[sflag:s26] =	ssyncset.done $0x0  }
0xd6: {  	s13 =	rddreg [dreg:$0x5];
	[sflag:s26] =	ssyncadd.s32 $0xFFFFA000  }
0xd7: {  	[hbm4b:s13+s3] =	stream.linear.scatter [tilespmem:s11], [sflag:$0x7], $0x6000, $0x38;
	[tilespmem:$0x18080] =	vst v63  }
0xd8: {  	_ =	swait.ge [sflag:s28], $0x6000  }
0xd9: {  	[sflag:s28] =	ssyncset.done $0x0  }
0xda: {  	s13 =	rddreg [dreg:$0x6];
	[sflag:s28] =	ssyncadd.s32 $0xFFFFA000  }
0xdb: {  	[hbm4b:s13+s3] =	stream.linear.scatter [tilespmem:s12], [sflag:$0x8], $0x6000, $0x38;
	[tilespmem:$0x18080] =	vst v63  }
0xdc: {  	_ =	swait.ge [sflag:s29], $0x6000  }
0xdd: {  	[sflag:s29] =	ssyncset.done $0x0  }
0xde: {  	[sflag:s29] =	ssyncadd.s32 $0xFFFFA000  }
0xdf: {  	_ =	swait.ge [sflag:s30], $0x6000  }
0xe0: {  	[sflag:s30] =	ssyncset.done $0x0  }
0xe1: {  	[sflag:s30] =	ssyncadd.s32 $0xFFFFA000  }
0xe2: {  	p0 =	sne.s32 s7, $0x1;
	_ =	swait.ge [sflag:s31], $0x6000  }
.Ltmp0:
0xe3: {  	[sflag:s31] =	ssyncset.done $0x0;
	(pc) =	sbr.rel @p0 .LBB2_1-.Ltmp0, $4  }
0xe4: {  	[sflag:s31] =	ssyncadd.s32 $0xFFFFA000  }
0xe5: {  	_ =	swait.ge [sflag:s1], $0x6000  }
0xe6: {  	[sflag:s1] =	ssyncset.done $0x0  }
0xe7: {  	s7 =	sadd.s32 $0xFFFFFFFF, s7;
	[sflag:s1] =	ssyncadd.s32 $0xFFFFA000  }
0xe8: {  	_ =	sfence.sel $0x180000  }
0xe9: {  	[bflag:$0x0] =	sbarrier.arrive $0xFFFF  }
0xea: {  	_ =	strace $0x9000004A  }
0xeb: {  	s0 =	stileid.u32;
	[bflag:$0x2] =	sbarrier.arrive $0xFFFF  }
0xec: {  	p0 =	sne.s32 s0, $0x0;
	s0 =	rddreg [dreg:$0x2]  }
0xed: {  	s0 =	sadd.s32 @!p0 $0x100000, s0  }
0xee: {  	[sflag:s0] =	ssyncadd.tile.s32 @!p0 $0x1;
	_ =	shalt  }
.Lfunc_end2:
_tile_overlayer_lowered:
.L_overlay_start_2:
0xef: {  	(tag) =	ssettag $0x2  }
0xf0: {  	s0 =	rddreg [dreg:$0x0];
	s2 =	stileid.u32  }
0xf1: {  	s1 =	rddreg [dreg:$0x1];
	p0 =	sne.s32 s2, $0x0  }
0xf2: {  	s3 =	rddreg [dreg:$0x2];
	[bflag:$0x3] =	sbarrier.arrive $0xFFFF;
	s2 =	simm.s32 @!p0 $0x1C09  }
0xf3: {  	[timem:s3], [sflag:s2] =	dma.local @!p0 [hbm:s0], s1  }
0xf4: {  	s0 =	simm.s32 @!p0 $0x9  }
0xf5: {  	_ =	swait.ge @!p0 [sflag:s0], s1  }
0xf6: {  	s1 =	ssub.s32 @!p0 $0x0, s1;
	[sflag:s0] =	ssyncset.done @!p0 $0x0  }
0xf7: {  	[sflag:s0] =	ssyncadd.s32 @!p0 s1  }
0xf8: {  	[bflag:$0x3] =	sbarrier.arrive $0xFFFF  }
0xf9: {  	_ =	shalt  }

</sc_bundles>
